<compile_context>
chip_gen: v7x
topology: tpu7x:2x2x1
jax: 0.10.2.dev20260603
libtpu: 0.0.44.dev20260713+nightly
codegen_flags: <defaults>
</compile_context>

<pallas_src>
import functools

import jax
import jax.numpy as jnp
from jax import lax
from jax.experimental import pallas as pl
from jax.experimental.pallas import tpu as pltpu
from jax.experimental.pallas import tpu_sc as plsc

_VOCAB = 1000
_D = 16
_B = 16384
_F = 26

_NC = 2
_NS = 16
_NW = _NC * _NS

_BBLK = 128
_NBLK = _B // _BBLK
_BLK_W = _NBLK // _NW
_LANES = 16


def _recip_norm(acc):
    i = lax.bitcast_convert_type(acc, jnp.int32)
    i = jnp.int32(0x5F3759DF) - (i >> 1)
    y = lax.bitcast_convert_type(i, jnp.float32)
    for _ in range(2):
        y = y * (jnp.float32(1.5) - jnp.float32(0.5) * acc * y * y)
    norm = acc * y
    return jnp.float32(1.0) / jnp.maximum(norm, jnp.float32(1e-12))


def _body(table_hbm, idx_hbm, out_hbm, table_v, idx_v, out_st, gsem):
    wid = lax.axis_index("s") * _NC + lax.axis_index("c")

    pltpu.sync_copy(table_hbm, table_v)

    iota16 = lax.iota(jnp.int32, _LANES)

    def swizzle_row(r, _):
        base = r * _D
        sh = plsc.load_gather(table_v, [base + (iota16 ^ (r & 15))])
        table_v[pl.ds(base, _D)] = sh
        return _

    lax.fori_loop(0, _VOCAB, swizzle_row, None)

    def do_block(cb, _):
        blk = wid * _BLK_W + cb
        pltpu.sync_copy(idx_hbm.at[:, pl.ds(blk * _BBLK, _BBLK)], idx_v)

        def do_group(bb, _):
            iv = [idx_v[f, pl.ds(bb * _LANES, _LANES)] for f in range(_F)]
            fv = [v * _D for v in iv]
            xf = [v & 15 for v in iv]

            def do_dim(d, _):
                gs = [plsc.load_gather(table_v, [fv[f] + (xf[f] ^ d)])
                      for f in range(_F)]
                sq = [g * g for g in gs]
                while len(sq) > 1:
                    sq = [sq[i] + sq[i + 1] for i in range(0, len(sq) - 1, 2)]                          + ([sq[-1]] if len(sq) % 2 else [])
                recip = _recip_norm(sq[0])
                dhi = d >> 3
                dlo = d & 7
                for f in range(_F):
                    out_st[f, dhi, dlo, pl.ds(bb * _LANES, _LANES)] = (
                        gs[f] * recip)
                return _

            lax.fori_loop(0, _D, do_dim, None)
            return _

        lax.fori_loop(0, _BBLK // _LANES, do_group, None)
        pltpu.sync_copy(out_st, out_hbm.at[:, :, blk])
        return _

    lax.fori_loop(0, _BLK_W, do_block, None)


def kernel(user_features, embedding_table):
    mesh = plsc.VectorSubcoreMesh(
        core_axis_name="c", subcore_axis_name="s",
        num_cores=_NC, num_subcores=_NS)
    run = functools.partial(
        pl.kernel,
        out_type=jax.ShapeDtypeStruct((_F, _D // 8, _NBLK, 8, _BBLK),
                                      jnp.float32),
        mesh=mesh,
        scratch_types=[
            pltpu.VMEM((_VOCAB * _D,), jnp.float32),
            pltpu.VMEM((_F, _BBLK), jnp.int32),
            pltpu.VMEM((_F, _D // 8, 8, _BBLK), jnp.float32),
            pltpu.SemaphoreType.DMA,
        ],
        compiler_params=pltpu.CompilerParams(use_tc_tiling_on_sc=False, needs_layout_passes=False),
    )(_body)
    idx_t = user_features.T
    out5 = run(embedding_table.reshape(_VOCAB * _D), idx_t)
    out = jnp.transpose(out5, (2, 4, 0, 1, 3))
    return out.reshape(_B, _F, _D)

# --- scband reference (transcript-rebuilt; emitter-appended) ---
"""Pipeline reference for scband-user-tower-26723286516277 (READ-ONLY COPY).

The authoritative reference and input builder live on the scoring server;
editing this copy changes nothing except your own understanding.
"""

import jax, jax.numpy as jnp
import numpy as np

VOCAB = 1000  # len(GENRES)
EMBED_DIM = 16
BATCH = 16384
N_FIELDS = 26


def setup_inputs(seed: int = 0) -> dict:
    key = jax.random.key(seed)
    k_idx, k_tab = jax.random.split(key)
    user_features = jax.random.randint(k_idx, (BATCH, N_FIELDS), 0, VOCAB, dtype=jnp.int64 if jax.config.read('jax_enable_x64') else jnp.int32).astype(jnp.int32)
    embedding_table = jax.random.normal(k_tab, (VOCAB, EMBED_DIM), dtype=jnp.float32)
    return {"user_features": user_features, "embedding_table": embedding_table}


def reference(user_features, embedding_table):
    # user_embedding = self.user_fc(user_features)  -> gather rows
    user_embedding = jnp.take(embedding_table, user_features, axis=0)  # [B, F, D]
    # F.normalize(user_embedding, p=2, dim=1): L2-normalize along dim 1
    norm = jnp.sqrt(jnp.sum(user_embedding * user_embedding, axis=1, keepdims=True))
    denom = jnp.maximum(norm, 1e-12)
    return user_embedding / denom

if __name__ == "__main__":
    import jax
    _d = setup_inputs()
    print(jax.jit(kernel)(*tuple(_d.values())))

</pallas_src>

<mosaic_0001>
#map = affine_map<(d0, d1) -> (0)>
#map1 = affine_map<(d0, d1) -> (0, 0)>
#map2 = affine_map<(d0, d1) -> (0, 0, 0, 0, 0)>
module attributes {stable_mosaic.version = 14 : i64} {
  func.func @_body(%arg0: i32, %arg1: i32, %arg2: memref<16000xf32, #tpu.memory_space<hbm>>, %arg3: memref<26x16384xi32, #tpu.memory_space<hbm>>, %arg4: memref<26x2x128x8x128xf32, #tpu.memory_space<hbm>>, %arg5: memref<16000xf32, #tpu.memory_space<vmem>>, %arg6: memref<26x128xi32, #tpu.memory_space<vmem>>, %arg7: memref<26x2x8x128xf32, #tpu.memory_space<vmem>>, %arg8: memref<!tpu.dma_semaphore, #tpu.memory_space<semaphore_mem>>) attributes {dimension_semantics = [#tpu.dimension_semantics<core_parallel>, #tpu.dimension_semantics<subcore_parallel>], iteration_bounds = array<i64: 2, 16>, scalar_prefetch = 0 : i64, scratch_operands = 4 : i64, tpu.core_type = #tpu.core_type<sc_vector_subcore>, window_params = [{transform_indices = #map}, {transform_indices = #map1}, {transform_indices = #map2}]} {
    %mul3A = arith.constant 2 : i32
    %mul3A_0 = arith.muli %arg1, %mul3A : i32
    %add3A = arith.addi %mul3A_0, %arg0 : i32
    "tpu.region"() ({
      %run_scoped3A = tpu.sem_alloc : memref<!tpu.dma_semaphore, #tpu.memory_space<semaphore_mem>>
      tpu.enqueue_dma source(%arg2 : memref<16000xf32, #tpu.memory_space<hbm>>) target(%arg5 : memref<16000xf32, #tpu.memory_space<vmem>>) target_semaphore(%run_scoped3A : memref<!tpu.dma_semaphore, #tpu.memory_space<semaphore_mem>>)
      tpu.wait_dma2 semaphore(%run_scoped3A : memref<!tpu.dma_semaphore, #tpu.memory_space<semaphore_mem>>) src(%arg2 : memref<16000xf32, #tpu.memory_space<hbm>>) dst(%arg5 : memref<16000xf32, #tpu.memory_space<vmem>>)
      tpu.yield
    }) : () -> ()
    %iota3A = tpu.iota {dimensions = array<i32: 0>} : vector<16xi32>
    %scan3A = arith.constant 0 : i32
    %scan3A_1 = arith.constant 1000 : i32
    %scan3A_2 = arith.addi %scan3A, %scan3A_1 : i32
    %scan3A_3 = arith.constant 1 : i32
    scf.for %scan3A_10 = %scan3A to %scan3A_2 step %scan3A_3  : i32 {
      %mul3A_11 = arith.constant 16 : i32
      %mul3A_12 = arith.muli %scan3A_10, %mul3A_11 : i32
      %and3A = arith.constant 15 : i32
      %and3A_13 = arith.andi %scan3A_10, %and3A : i32
      %xor3A = vector.broadcast %and3A_13 : i32 to vector<16xi32>
      %xor3A_14 = arith.xori %iota3A, %xor3A : vector<16xi32>
      %add3A_15 = vector.broadcast %mul3A_12 : i32 to vector<16xi32>
      %add3A_16 = arith.addi %add3A_15, %xor3A_14 : vector<16xi32>
      %gather3A = tpu.vector_load_idx %arg5[%add3A_16] : memref<16000xf32, #tpu.memory_space<vmem>>[vector<16xi32>], vector<16xf32>,
      %swap3A = arith.index_cast %mul3A_12 : i32 to index
      %swap3A_17 = tpu.vector_load %arg5[%swap3A] {strides = array<i32>} : memref<16000xf32, #tpu.memory_space<vmem>>, vector<16xf32>,
      tpu.vector_store %arg5[%swap3A], %gather3A {strides = array<i32>} : memref<16000xf32, #tpu.memory_space<vmem>>, vector<16xf32>,
    }
    %scan3A_4 = arith.constant 1000 : i32
    %scan3A_5 = arith.constant 0 : i32
    %scan3A_6 = arith.constant 4 : i32
    %scan3A_7 = arith.addi %scan3A_5, %scan3A_6 : i32
    %scan3A_8 = arith.constant 1 : i32
    scf.for %scan3A_10 = %scan3A_5 to %scan3A_7 step %scan3A_8  : i32 {
      %mul3A_11 = arith.constant 4 : i32
      %mul3A_12 = arith.muli %add3A, %mul3A_11 : i32
      %add3A_13 = arith.addi %mul3A_12, %scan3A_10 : i32
      %mul3A_14 = arith.constant 128 : i32
      %mul3A_15 = arith.muli %add3A_13, %mul3A_14 : i32
      "tpu.region"() ({
        %run_scoped3A = tpu.sem_alloc : memref<!tpu.dma_semaphore, #tpu.memory_space<semaphore_mem>>
        %dma_start3A = arith.constant 0 : i32
        %dma_start3A_21 = tpu.memref_slice %arg3[%dma_start3A, %mul3A_15] : memref<26x16384xi32, #tpu.memory_space<hbm>> -> memref<26x128xi32, #tpu.memory_space<hbm>>
        %dma_start3A_22 = arith.constant 0 : i32
        %dma_start3A_23 = tpu.memref_slice %arg3[%dma_start3A_22, %mul3A_15] : memref<26x16384xi32, #tpu.memory_space<hbm>> -> memref<26x128xi32, #tpu.memory_space<hbm>>
        tpu.enqueue_dma source(%dma_start3A_23 : memref<26x128xi32, #tpu.memory_space<hbm>>) target(%arg6 : memref<26x128xi32, #tpu.memory_space<vmem>>) target_semaphore(%run_scoped3A : memref<!tpu.dma_semaphore, #tpu.memory_space<semaphore_mem>>)
        %dma_wait3A = arith.constant 0 : i32
        %dma_wait3A_24 = tpu.memref_slice %arg3[%dma_wait3A, %mul3A_15] : memref<26x16384xi32, #tpu.memory_space<hbm>> -> memref<26x128xi32, #tpu.memory_space<hbm>>
        %dma_wait3A_25 = arith.constant 0 : i32
        %dma_wait3A_26 = tpu.memref_slice %arg3[%dma_wait3A_25, %mul3A_15] : memref<26x16384xi32, #tpu.memory_space<hbm>> -> memref<26x128xi32, #tpu.memory_space<hbm>>
        tpu.wait_dma2 semaphore(%run_scoped3A : memref<!tpu.dma_semaphore, #tpu.memory_space<semaphore_mem>>) src(%dma_wait3A_26 : memref<26x128xi32, #tpu.memory_space<hbm>>) dst(%arg6 : memref<26x128xi32, #tpu.memory_space<vmem>>)
        tpu.yield
      }) : () -> ()
      %scan3A_16 = arith.constant 0 : i32
      %scan3A_17 = arith.constant 8 : i32
      %scan3A_18 = arith.addi %scan3A_16, %scan3A_17 : i32
      %scan3A_19 = arith.constant 1 : i32
      scf.for %scan3A_21 = %scan3A_16 to %scan3A_18 step %scan3A_19  : i32 {
        %mul3A_22 = arith.constant 16 : i32
        %mul3A_23 = arith.muli %scan3A_21, %mul3A_22 : i32
        %get3A = arith.constant 0 : i32
        %get3A_24 = arith.index_cast %get3A : i32 to index
        %get3A_25 = arith.index_cast %mul3A_23 : i32 to index
        %get3A_26 = tpu.vector_load %arg6[%get3A_24, %get3A_25] {strides = array<i32>} : memref<26x128xi32, #tpu.memory_space<vmem>>, vector<16xi32>,
        %mul3A_27 = arith.constant 16 : i32
        %mul3A_28 = arith.muli %scan3A_21, %mul3A_27 : i32
        %get3A_29 = arith.constant 1 : i32
        %get3A_30 = arith.index_cast %get3A_29 : i32 to index
        %get3A_31 = arith.index_cast %mul3A_28 : i32 to index
        %get3A_32 = tpu.vector_load %arg6[%get3A_30, %get3A_31] {strides = array<i32>} : memref<26x128xi32, #tpu.memory_space<vmem>>, vector<16xi32>,
        %mul3A_33 = arith.constant 16 : i32
        %mul3A_34 = arith.muli %scan3A_21, %mul3A_33 : i32
        %get3A_35 = arith.constant 2 : i32
        %get3A_36 = arith.index_cast %get3A_35 : i32 to index
        %get3A_37 = arith.index_cast %mul3A_34 : i32 to index
        %get3A_38 = tpu.vector_load %arg6[%get3A_36, %get3A_37] {strides = array<i32>} : memref<26x128xi32, #tpu.memory_space<vmem>>, vector<16xi32>,
        %mul3A_39 = arith.constant 16 : i32
        %mul3A_40 = arith.muli %scan3A_21, %mul3A_39 : i32
        %get3A_41 = arith.constant 3 : i32
        %get3A_42 = arith.index_cast %get3A_41 : i32 to index
        %get3A_43 = arith.index_cast %mul3A_40 : i32 to index
        %get3A_44 = tpu.vector_load %arg6[%get3A_42, %get3A_43] {strides = array<i32>} : memref<26x128xi32, #tpu.memory_space<vmem>>, vector<16xi32>,
        %mul3A_45 = arith.constant 16 : i32
        %mul3A_46 = arith.muli %scan3A_21, %mul3A_45 : i32
        %get3A_47 = arith.constant 4 : i32
        %get3A_48 = arith.index_cast %get3A_47 : i32 to index
        %get3A_49 = arith.index_cast %mul3A_46 : i32 to index
        %get3A_50 = tpu.vector_load %arg6[%get3A_48, %get3A_49] {strides = array<i32>} : memref<26x128xi32, #tpu.memory_space<vmem>>, vector<16xi32>,
        %mul3A_51 = arith.constant 16 : i32
        %mul3A_52 = arith.muli %scan3A_21, %mul3A_51 : i32
        %get3A_53 = arith.constant 5 : i32
        %get3A_54 = arith.index_cast %get3A_53 : i32 to index
        %get3A_55 = arith.index_cast %mul3A_52 : i32 to index
        %get3A_56 = tpu.vector_load %arg6[%get3A_54, %get3A_55] {strides = array<i32>} : memref<26x128xi32, #tpu.memory_space<vmem>>, vector<16xi32>,
        %mul3A_57 = arith.constant 16 : i32
        %mul3A_58 = arith.muli %scan3A_21, %mul3A_57 : i32
        %get3A_59 = arith.constant 6 : i32
        %get3A_60 = arith.index_cast %get3A_59 : i32 to index
        %get3A_61 = arith.index_cast %mul3A_58 : i32 to index
        %get3A_62 = tpu.vector_load %arg6[%get3A_60, %get3A_61] {strides = array<i32>} : memref<26x128xi32, #tpu.memory_space<vmem>>, vector<16xi32>,
        %mul3A_63 = arith.constant 16 : i32
        %mul3A_64 = arith.muli %scan3A_21, %mul3A_63 : i32
        %get3A_65 = arith.constant 7 : i32
        %get3A_66 = arith.index_cast %get3A_65 : i32 to index
        %get3A_67 = arith.index_cast %mul3A_64 : i32 to index
        %get3A_68 = tpu.vector_load %arg6[%get3A_66, %get3A_67] {strides = array<i32>} : memref<26x128xi32, #tpu.memory_space<vmem>>, vector<16xi32>,
        %mul3A_69 = arith.constant 16 : i32
        %mul3A_70 = arith.muli %scan3A_21, %mul3A_69 : i32
        %get3A_71 = arith.constant 8 : i32
        %get3A_72 = arith.index_cast %get3A_71 : i32 to index
        %get3A_73 = arith.index_cast %mul3A_70 : i32 to index
        %get3A_74 = tpu.vector_load %arg6[%get3A_72, %get3A_73] {strides = array<i32>} : memref<26x128xi32, #tpu.memory_space<vmem>>, vector<16xi32>,
        %mul3A_75 = arith.constant 16 : i32
        %mul3A_76 = arith.muli %scan3A_21, %mul3A_75 : i32
        %get3A_77 = arith.constant 9 : i32
        %get3A_78 = arith.index_cast %get3A_77 : i32 to index
        %get3A_79 = arith.index_cast %mul3A_76 : i32 to index
        %get3A_80 = tpu.vector_load %arg6[%get3A_78, %get3A_79] {strides = array<i32>} : memref<26x128xi32, #tpu.memory_space<vmem>>, vector<16xi32>,
        %mul3A_81 = arith.constant 16 : i32
        %mul3A_82 = arith.muli %scan3A_21, %mul3A_81 : i32
        %get3A_83 = arith.constant 10 : i32
        %get3A_84 = arith.index_cast %get3A_83 : i32 to index
        %get3A_85 = arith.index_cast %mul3A_82 : i32 to index
        %get3A_86 = tpu.vector_load %arg6[%get3A_84, %get3A_85] {strides = array<i32>} : memref<26x128xi32, #tpu.memory_space<vmem>>, vector<16xi32>,
        %mul3A_87 = arith.constant 16 : i32
        %mul3A_88 = arith.muli %scan3A_21, %mul3A_87 : i32
        %get3A_89 = arith.constant 11 : i32
        %get3A_90 = arith.index_cast %get3A_89 : i32 to index
        %get3A_91 = arith.index_cast %mul3A_88 : i32 to index
        %get3A_92 = tpu.vector_load %arg6[%get3A_90, %get3A_91] {strides = array<i32>} : memref<26x128xi32, #tpu.memory_space<vmem>>, vector<16xi32>,
        %mul3A_93 = arith.constant 16 : i32
        %mul3A_94 = arith.muli %scan3A_21, %mul3A_93 : i32
        %get3A_95 = arith.constant 12 : i32
        %get3A_96 = arith.index_cast %get3A_95 : i32 to index
        %get3A_97 = arith.index_cast %mul3A_94 : i32 to index
        %get3A_98 = tpu.vector_load %arg6[%get3A_96, %get3A_97] {strides = array<i32>} : memref<26x128xi32, #tpu.memory_space<vmem>>, vector<16xi32>,
        %mul3A_99 = arith.constant 16 : i32
        %mul3A_100 = arith.muli %scan3A_21, %mul3A_99 : i32
        %get3A_101 = arith.constant 13 : i32
        %get3A_102 = arith.index_cast %get3A_101 : i32 to index
        %get3A_103 = arith.index_cast %mul3A_100 : i32 to index
        %get3A_104 = tpu.vector_load %arg6[%get3A_102, %get3A_103] {strides = array<i32>} : memref<26x128xi32, #tpu.memory_space<vmem>>, vector<16xi32>,
        %mul3A_105 = arith.constant 16 : i32
        %mul3A_106 = arith.muli %scan3A_21, %mul3A_105 : i32
        %get3A_107 = arith.constant 14 : i32
        %get3A_108 = arith.index_cast %get3A_107 : i32 to index
        %get3A_109 = arith.index_cast %mul3A_106 : i32 to index
        %get3A_110 = tpu.vector_load %arg6[%get3A_108, %get3A_109] {strides = array<i32>} : memref<26x128xi32, #tpu.memory_space<vmem>>, vector<16xi32>,
        %mul3A_111 = arith.constant 16 : i32
        %mul3A_112 = arith.muli %scan3A_21, %mul3A_111 : i32
        %get3A_113 = arith.constant 15 : i32
        %get3A_114 = arith.index_cast %get3A_113 : i32 to index
        %get3A_115 = arith.index_cast %mul3A_112 : i32 to index
        %get3A_116 = tpu.vector_load %arg6[%get3A_114, %get3A_115] {strides = array<i32>} : memref<26x128xi32, #tpu.memory_space<vmem>>, vector<16xi32>,
        %mul3A_117 = arith.constant 16 : i32
        %mul3A_118 = arith.muli %scan3A_21, %mul3A_117 : i32
        %get3A_119 = arith.constant 16 : i32
        %get3A_120 = arith.index_cast %get3A_119 : i32 to index
        %get3A_121 = arith.index_cast %mul3A_118 : i32 to index
        %get3A_122 = tpu.vector_load %arg6[%get3A_120, %get3A_121] {strides = array<i32>} : memref<26x128xi32, #tpu.memory_space<vmem>>, vector<16xi32>,
        %mul3A_123 = arith.constant 16 : i32
        %mul3A_124 = arith.muli %scan3A_21, %mul3A_123 : i32
        %get3A_125 = arith.constant 17 : i32
        %get3A_126 = arith.index_cast %get3A_125 : i32 to index
        %get3A_127 = arith.index_cast %mul3A_124 : i32 to index
        %get3A_128 = tpu.vector_load %arg6[%get3A_126, %get3A_127] {strides = array<i32>} : memref<26x128xi32, #tpu.memory_space<vmem>>, vector<16xi32>,
        %mul3A_129 = arith.constant 16 : i32
        %mul3A_130 = arith.muli %scan3A_21, %mul3A_129 : i32
        %get3A_131 = arith.constant 18 : i32
        %get3A_132 = arith.index_cast %get3A_131 : i32 to index
        %get3A_133 = arith.index_cast %mul3A_130 : i32 to index
        %get3A_134 = tpu.vector_load %arg6[%get3A_132, %get3A_133] {strides = array<i32>} : memref<26x128xi32, #tpu.memory_space<vmem>>, vector<16xi32>,
        %mul3A_135 = arith.constant 16 : i32
        %mul3A_136 = arith.muli %scan3A_21, %mul3A_135 : i32
        %get3A_137 = arith.constant 19 : i32
        %get3A_138 = arith.index_cast %get3A_137 : i32 to index
        %get3A_139 = arith.index_cast %mul3A_136 : i32 to index
        %get3A_140 = tpu.vector_load %arg6[%get3A_138, %get3A_139] {strides = array<i32>} : memref<26x128xi32, #tpu.memory_space<vmem>>, vector<16xi32>,
        %mul3A_141 = arith.constant 16 : i32
        %mul3A_142 = arith.muli %scan3A_21, %mul3A_141 : i32
        %get3A_143 = arith.constant 20 : i32
        %get3A_144 = arith.index_cast %get3A_143 : i32 to index
        %get3A_145 = arith.index_cast %mul3A_142 : i32 to index
        %get3A_146 = tpu.vector_load %arg6[%get3A_144, %get3A_145] {strides = array<i32>} : memref<26x128xi32, #tpu.memory_space<vmem>>, vector<16xi32>,
        %mul3A_147 = arith.constant 16 : i32
        %mul3A_148 = arith.muli %scan3A_21, %mul3A_147 : i32
        %get3A_149 = arith.constant 21 : i32
        %get3A_150 = arith.index_cast %get3A_149 : i32 to index
        %get3A_151 = arith.index_cast %mul3A_148 : i32 to index
        %get3A_152 = tpu.vector_load %arg6[%get3A_150, %get3A_151] {strides = array<i32>} : memref<26x128xi32, #tpu.memory_space<vmem>>, vector<16xi32>,
        %mul3A_153 = arith.constant 16 : i32
        %mul3A_154 = arith.muli %scan3A_21, %mul3A_153 : i32
        %get3A_155 = arith.constant 22 : i32
        %get3A_156 = arith.index_cast %get3A_155 : i32 to index
        %get3A_157 = arith.index_cast %mul3A_154 : i32 to index
        %get3A_158 = tpu.vector_load %arg6[%get3A_156, %get3A_157] {strides = array<i32>} : memref<26x128xi32, #tpu.memory_space<vmem>>, vector<16xi32>,
        %mul3A_159 = arith.constant 16 : i32
        %mul3A_160 = arith.muli %scan3A_21, %mul3A_159 : i32
        %get3A_161 = arith.constant 23 : i32
        %get3A_162 = arith.index_cast %get3A_161 : i32 to index
        %get3A_163 = arith.index_cast %mul3A_160 : i32 to index
        %get3A_164 = tpu.vector_load %arg6[%get3A_162, %get3A_163] {strides = array<i32>} : memref<26x128xi32, #tpu.memory_space<vmem>>, vector<16xi32>,
        %mul3A_165 = arith.constant 16 : i32
        %mul3A_166 = arith.muli %scan3A_21, %mul3A_165 : i32
        %get3A_167 = arith.constant 24 : i32
        %get3A_168 = arith.index_cast %get3A_167 : i32 to index
        %get3A_169 = arith.index_cast %mul3A_166 : i32 to index
        %get3A_170 = tpu.vector_load %arg6[%get3A_168, %get3A_169] {strides = array<i32>} : memref<26x128xi32, #tpu.memory_space<vmem>>, vector<16xi32>,
        %mul3A_171 = arith.constant 16 : i32
        %mul3A_172 = arith.muli %scan3A_21, %mul3A_171 : i32
        %get3A_173 = arith.constant 25 : i32
        %get3A_174 = arith.index_cast %get3A_173 : i32 to index
        %get3A_175 = arith.index_cast %mul3A_172 : i32 to index
        %get3A_176 = tpu.vector_load %arg6[%get3A_174, %get3A_175] {strides = array<i32>} : memref<26x128xi32, #tpu.memory_space<vmem>>, vector<16xi32>,
        %mul3A_177 = arith.constant 16 : i32
        %mul3A_178 = vector.broadcast %mul3A_177 : i32 to vector<16xi32>
        %mul3A_179 = arith.muli %get3A_26, %mul3A_178 : vector<16xi32>
        %mul3A_180 = arith.constant 16 : i32
        %mul3A_181 = vector.broadcast %mul3A_180 : i32 to vector<16xi32>
        %mul3A_182 = arith.muli %get3A_32, %mul3A_181 : vector<16xi32>
        %mul3A_183 = arith.constant 16 : i32
        %mul3A_184 = vector.broadcast %mul3A_183 : i32 to vector<16xi32>
        %mul3A_185 = arith.muli %get3A_38, %mul3A_184 : vector<16xi32>
        %mul3A_186 = arith.constant 16 : i32
        %mul3A_187 = vector.broadcast %mul3A_186 : i32 to vector<16xi32>
        %mul3A_188 = arith.muli %get3A_44, %mul3A_187 : vector<16xi32>
        %mul3A_189 = arith.constant 16 : i32
        %mul3A_190 = vector.broadcast %mul3A_189 : i32 to vector<16xi32>
        %mul3A_191 = arith.muli %get3A_50, %mul3A_190 : vector<16xi32>
        %mul3A_192 = arith.constant 16 : i32
        %mul3A_193 = vector.broadcast %mul3A_192 : i32 to vector<16xi32>
        %mul3A_194 = arith.muli %get3A_56, %mul3A_193 : vector<16xi32>
        %mul3A_195 = arith.constant 16 : i32
        %mul3A_196 = vector.broadcast %mul3A_195 : i32 to vector<16xi32>
        %mul3A_197 = arith.muli %get3A_62, %mul3A_196 : vector<16xi32>
        %mul3A_198 = arith.constant 16 : i32
        %mul3A_199 = vector.broadcast %mul3A_198 : i32 to vector<16xi32>
        %mul3A_200 = arith.muli %get3A_68, %mul3A_199 : vector<16xi32>
        %mul3A_201 = arith.constant 16 : i32
        %mul3A_202 = vector.broadcast %mul3A_201 : i32 to vector<16xi32>
        %mul3A_203 = arith.muli %get3A_74, %mul3A_202 : vector<16xi32>
        %mul3A_204 = arith.constant 16 : i32
        %mul3A_205 = vector.broadcast %mul3A_204 : i32 to vector<16xi32>
        %mul3A_206 = arith.muli %get3A_80, %mul3A_205 : vector<16xi32>
        %mul3A_207 = arith.constant 16 : i32
        %mul3A_208 = vector.broadcast %mul3A_207 : i32 to vector<16xi32>
        %mul3A_209 = arith.muli %get3A_86, %mul3A_208 : vector<16xi32>
        %mul3A_210 = arith.constant 16 : i32
        %mul3A_211 = vector.broadcast %mul3A_210 : i32 to vector<16xi32>
        %mul3A_212 = arith.muli %get3A_92, %mul3A_211 : vector<16xi32>
        %mul3A_213 = arith.constant 16 : i32
        %mul3A_214 = vector.broadcast %mul3A_213 : i32 to vector<16xi32>
        %mul3A_215 = arith.muli %get3A_98, %mul3A_214 : vector<16xi32>
        %mul3A_216 = arith.constant 16 : i32
        %mul3A_217 = vector.broadcast %mul3A_216 : i32 to vector<16xi32>
        %mul3A_218 = arith.muli %get3A_104, %mul3A_217 : vector<16xi32>
        %mul3A_219 = arith.constant 16 : i32
        %mul3A_220 = vector.broadcast %mul3A_219 : i32 to vector<16xi32>
        %mul3A_221 = arith.muli %get3A_110, %mul3A_220 : vector<16xi32>
        %mul3A_222 = arith.constant 16 : i32
        %mul3A_223 = vector.broadcast %mul3A_222 : i32 to vector<16xi32>
        %mul3A_224 = arith.muli %get3A_116, %mul3A_223 : vector<16xi32>
        %mul3A_225 = arith.constant 16 : i32
        %mul3A_226 = vector.broadcast %mul3A_225 : i32 to vector<16xi32>
        %mul3A_227 = arith.muli %get3A_122, %mul3A_226 : vector<16xi32>
        %mul3A_228 = arith.constant 16 : i32
        %mul3A_229 = vector.broadcast %mul3A_228 : i32 to vector<16xi32>
        %mul3A_230 = arith.muli %get3A_128, %mul3A_229 : vector<16xi32>
        %mul3A_231 = arith.constant 16 : i32
        %mul3A_232 = vector.broadcast %mul3A_231 : i32 to vector<16xi32>
        %mul3A_233 = arith.muli %get3A_134, %mul3A_232 : vector<16xi32>
        %mul3A_234 = arith.constant 16 : i32
        %mul3A_235 = vector.broadcast %mul3A_234 : i32 to vector<16xi32>
        %mul3A_236 = arith.muli %get3A_140, %mul3A_235 : vector<16xi32>
        %mul3A_237 = arith.constant 16 : i32
        %mul3A_238 = vector.broadcast %mul3A_237 : i32 to vector<16xi32>
        %mul3A_239 = arith.muli %get3A_146, %mul3A_238 : vector<16xi32>
        %mul3A_240 = arith.constant 16 : i32
        %mul3A_241 = vector.broadcast %mul3A_240 : i32 to vector<16xi32>
        %mul3A_242 = arith.muli %get3A_152, %mul3A_241 : vector<16xi32>
        %mul3A_243 = arith.constant 16 : i32
        %mul3A_244 = vector.broadcast %mul3A_243 : i32 to vector<16xi32>
        %mul3A_245 = arith.muli %get3A_158, %mul3A_244 : vector<16xi32>
        %mul3A_246 = arith.constant 16 : i32
        %mul3A_247 = vector.broadcast %mul3A_246 : i32 to vector<16xi32>
        %mul3A_248 = arith.muli %get3A_164, %mul3A_247 : vector<16xi32>
        %mul3A_249 = arith.constant 16 : i32
        %mul3A_250 = vector.broadcast %mul3A_249 : i32 to vector<16xi32>
        %mul3A_251 = arith.muli %get3A_170, %mul3A_250 : vector<16xi32>
        %mul3A_252 = arith.constant 16 : i32
        %mul3A_253 = vector.broadcast %mul3A_252 : i32 to vector<16xi32>
        %mul3A_254 = arith.muli %get3A_176, %mul3A_253 : vector<16xi32>
        %and3A = arith.constant 15 : i32
        %and3A_255 = vector.broadcast %and3A : i32 to vector<16xi32>
        %and3A_256 = arith.andi %get3A_26, %and3A_255 : vector<16xi32>
        %and3A_257 = arith.constant 15 : i32
        %and3A_258 = vector.broadcast %and3A_257 : i32 to vector<16xi32>
        %and3A_259 = arith.andi %get3A_32, %and3A_258 : vector<16xi32>
        %and3A_260 = arith.constant 15 : i32
        %and3A_261 = vector.broadcast %and3A_260 : i32 to vector<16xi32>
        %and3A_262 = arith.andi %get3A_38, %and3A_261 : vector<16xi32>
        %and3A_263 = arith.constant 15 : i32
        %and3A_264 = vector.broadcast %and3A_263 : i32 to vector<16xi32>
        %and3A_265 = arith.andi %get3A_44, %and3A_264 : vector<16xi32>
        %and3A_266 = arith.constant 15 : i32
        %and3A_267 = vector.broadcast %and3A_266 : i32 to vector<16xi32>
        %and3A_268 = arith.andi %get3A_50, %and3A_267 : vector<16xi32>
        %and3A_269 = arith.constant 15 : i32
        %and3A_270 = vector.broadcast %and3A_269 : i32 to vector<16xi32>
        %and3A_271 = arith.andi %get3A_56, %and3A_270 : vector<16xi32>
        %and3A_272 = arith.constant 15 : i32
        %and3A_273 = vector.broadcast %and3A_272 : i32 to vector<16xi32>
        %and3A_274 = arith.andi %get3A_62, %and3A_273 : vector<16xi32>
        %and3A_275 = arith.constant 15 : i32
        %and3A_276 = vector.broadcast %and3A_275 : i32 to vector<16xi32>
        %and3A_277 = arith.andi %get3A_68, %and3A_276 : vector<16xi32>
        %and3A_278 = arith.constant 15 : i32
        %and3A_279 = vector.broadcast %and3A_278 : i32 to vector<16xi32>
        %and3A_280 = arith.andi %get3A_74, %and3A_279 : vector<16xi32>
        %and3A_281 = arith.constant 15 : i32
        %and3A_282 = vector.broadcast %and3A_281 : i32 to vector<16xi32>
        %and3A_283 = arith.andi %get3A_80, %and3A_282 : vector<16xi32>
        %and3A_284 = arith.constant 15 : i32
        %and3A_285 = vector.broadcast %and3A_284 : i32 to vector<16xi32>
        %and3A_286 = arith.andi %get3A_86, %and3A_285 : vector<16xi32>
        %and3A_287 = arith.constant 15 : i32
        %and3A_288 = vector.broadcast %and3A_287 : i32 to vector<16xi32>
        %and3A_289 = arith.andi %get3A_92, %and3A_288 : vector<16xi32>
        %and3A_290 = arith.constant 15 : i32
        %and3A_291 = vector.broadcast %and3A_290 : i32 to vector<16xi32>
        %and3A_292 = arith.andi %get3A_98, %and3A_291 : vector<16xi32>
        %and3A_293 = arith.constant 15 : i32
        %and3A_294 = vector.broadcast %and3A_293 : i32 to vector<16xi32>
        %and3A_295 = arith.andi %get3A_104, %and3A_294 : vector<16xi32>
        %and3A_296 = arith.constant 15 : i32
        %and3A_297 = vector.broadcast %and3A_296 : i32 to vector<16xi32>
        %and3A_298 = arith.andi %get3A_110, %and3A_297 : vector<16xi32>
        %and3A_299 = arith.constant 15 : i32
        %and3A_300 = vector.broadcast %and3A_299 : i32 to vector<16xi32>
        %and3A_301 = arith.andi %get3A_116, %and3A_300 : vector<16xi32>
        %and3A_302 = arith.constant 15 : i32
        %and3A_303 = vector.broadcast %and3A_302 : i32 to vector<16xi32>
        %and3A_304 = arith.andi %get3A_122, %and3A_303 : vector<16xi32>
        %and3A_305 = arith.constant 15 : i32
        %and3A_306 = vector.broadcast %and3A_305 : i32 to vector<16xi32>
        %and3A_307 = arith.andi %get3A_128, %and3A_306 : vector<16xi32>
        %and3A_308 = arith.constant 15 : i32
        %and3A_309 = vector.broadcast %and3A_308 : i32 to vector<16xi32>
        %and3A_310 = arith.andi %get3A_134, %and3A_309 : vector<16xi32>
        %and3A_311 = arith.constant 15 : i32
        %and3A_312 = vector.broadcast %and3A_311 : i32 to vector<16xi32>
        %and3A_313 = arith.andi %get3A_140, %and3A_312 : vector<16xi32>
        %and3A_314 = arith.constant 15 : i32
        %and3A_315 = vector.broadcast %and3A_314 : i32 to vector<16xi32>
        %and3A_316 = arith.andi %get3A_146, %and3A_315 : vector<16xi32>
        %and3A_317 = arith.constant 15 : i32
        %and3A_318 = vector.broadcast %and3A_317 : i32 to vector<16xi32>
        %and3A_319 = arith.andi %get3A_152, %and3A_318 : vector<16xi32>
        %and3A_320 = arith.constant 15 : i32
        %and3A_321 = vector.broadcast %and3A_320 : i32 to vector<16xi32>
        %and3A_322 = arith.andi %get3A_158, %and3A_321 : vector<16xi32>
        %and3A_323 = arith.constant 15 : i32
        %and3A_324 = vector.broadcast %and3A_323 : i32 to vector<16xi32>
        %and3A_325 = arith.andi %get3A_164, %and3A_324 : vector<16xi32>
        %and3A_326 = arith.constant 15 : i32
        %and3A_327 = vector.broadcast %and3A_326 : i32 to vector<16xi32>
        %and3A_328 = arith.andi %get3A_170, %and3A_327 : vector<16xi32>
        %and3A_329 = arith.constant 15 : i32
        %and3A_330 = vector.broadcast %and3A_329 : i32 to vector<16xi32>
        %and3A_331 = arith.andi %get3A_176, %and3A_330 : vector<16xi32>
        %scan3A_332 = arith.constant 0 : i32
        %scan3A_333 = arith.constant 16 : i32
        %scan3A_334 = arith.addi %scan3A_332, %scan3A_333 : i32
        %scan3A_335 = arith.constant 1 : i32
        scf.for %scan3A_337 = %scan3A_332 to %scan3A_334 step %scan3A_335  : i32 {
          %xor3A = vector.broadcast %scan3A_337 : i32 to vector<16xi32>
          %xor3A_338 = arith.xori %and3A_256, %xor3A : vector<16xi32>
          %add3A_339 = arith.addi %mul3A_179, %xor3A_338 : vector<16xi32>
          %gather3A = tpu.vector_load_idx %arg5[%add3A_339] : memref<16000xf32, #tpu.memory_space<vmem>>[vector<16xi32>], vector<16xf32>,
          %xor3A_340 = vector.broadcast %scan3A_337 : i32 to vector<16xi32>
          %xor3A_341 = arith.xori %and3A_259, %xor3A_340 : vector<16xi32>
          %add3A_342 = arith.addi %mul3A_182, %xor3A_341 : vector<16xi32>
          %gather3A_343 = tpu.vector_load_idx %arg5[%add3A_342] : memref<16000xf32, #tpu.memory_space<vmem>>[vector<16xi32>], vector<16xf32>,
          %xor3A_344 = vector.broadcast %scan3A_337 : i32 to vector<16xi32>
          %xor3A_345 = arith.xori %and3A_262, %xor3A_344 : vector<16xi32>
          %add3A_346 = arith.addi %mul3A_185, %xor3A_345 : vector<16xi32>
          %gather3A_347 = tpu.vector_load_idx %arg5[%add3A_346] : memref<16000xf32, #tpu.memory_space<vmem>>[vector<16xi32>], vector<16xf32>,
          %xor3A_348 = vector.broadcast %scan3A_337 : i32 to vector<16xi32>
          %xor3A_349 = arith.xori %and3A_265, %xor3A_348 : vector<16xi32>
          %add3A_350 = arith.addi %mul3A_188, %xor3A_349 : vector<16xi32>
          %gather3A_351 = tpu.vector_load_idx %arg5[%add3A_350] : memref<16000xf32, #tpu.memory_space<vmem>>[vector<16xi32>], vector<16xf32>,
          %xor3A_352 = vector.broadcast %scan3A_337 : i32 to vector<16xi32>
          %xor3A_353 = arith.xori %and3A_268, %xor3A_352 : vector<16xi32>
          %add3A_354 = arith.addi %mul3A_191, %xor3A_353 : vector<16xi32>
          %gather3A_355 = tpu.vector_load_idx %arg5[%add3A_354] : memref<16000xf32, #tpu.memory_space<vmem>>[vector<16xi32>], vector<16xf32>,
          %xor3A_356 = vector.broadcast %scan3A_337 : i32 to vector<16xi32>
          %xor3A_357 = arith.xori %and3A_271, %xor3A_356 : vector<16xi32>
          %add3A_358 = arith.addi %mul3A_194, %xor3A_357 : vector<16xi32>
          %gather3A_359 = tpu.vector_load_idx %arg5[%add3A_358] : memref<16000xf32, #tpu.memory_space<vmem>>[vector<16xi32>], vector<16xf32>,
          %xor3A_360 = vector.broadcast %scan3A_337 : i32 to vector<16xi32>
          %xor3A_361 = arith.xori %and3A_274, %xor3A_360 : vector<16xi32>
          %add3A_362 = arith.addi %mul3A_197, %xor3A_361 : vector<16xi32>
          %gather3A_363 = tpu.vector_load_idx %arg5[%add3A_362] : memref<16000xf32, #tpu.memory_space<vmem>>[vector<16xi32>], vector<16xf32>,
          %xor3A_364 = vector.broadcast %scan3A_337 : i32 to vector<16xi32>
          %xor3A_365 = arith.xori %and3A_277, %xor3A_364 : vector<16xi32>
          %add3A_366 = arith.addi %mul3A_200, %xor3A_365 : vector<16xi32>
          %gather3A_367 = tpu.vector_load_idx %arg5[%add3A_366] : memref<16000xf32, #tpu.memory_space<vmem>>[vector<16xi32>], vector<16xf32>,
          %xor3A_368 = vector.broadcast %scan3A_337 : i32 to vector<16xi32>
          %xor3A_369 = arith.xori %and3A_280, %xor3A_368 : vector<16xi32>
          %add3A_370 = arith.addi %mul3A_203, %xor3A_369 : vector<16xi32>
          %gather3A_371 = tpu.vector_load_idx %arg5[%add3A_370] : memref<16000xf32, #tpu.memory_space<vmem>>[vector<16xi32>], vector<16xf32>,
          %xor3A_372 = vector.broadcast %scan3A_337 : i32 to vector<16xi32>
          %xor3A_373 = arith.xori %and3A_283, %xor3A_372 : vector<16xi32>
          %add3A_374 = arith.addi %mul3A_206, %xor3A_373 : vector<16xi32>
          %gather3A_375 = tpu.vector_load_idx %arg5[%add3A_374] : memref<16000xf32, #tpu.memory_space<vmem>>[vector<16xi32>], vector<16xf32>,
          %xor3A_376 = vector.broadcast %scan3A_337 : i32 to vector<16xi32>
          %xor3A_377 = arith.xori %and3A_286, %xor3A_376 : vector<16xi32>
          %add3A_378 = arith.addi %mul3A_209, %xor3A_377 : vector<16xi32>
          %gather3A_379 = tpu.vector_load_idx %arg5[%add3A_378] : memref<16000xf32, #tpu.memory_space<vmem>>[vector<16xi32>], vector<16xf32>,
          %xor3A_380 = vector.broadcast %scan3A_337 : i32 to vector<16xi32>
          %xor3A_381 = arith.xori %and3A_289, %xor3A_380 : vector<16xi32>
          %add3A_382 = arith.addi %mul3A_212, %xor3A_381 : vector<16xi32>
          %gather3A_383 = tpu.vector_load_idx %arg5[%add3A_382] : memref<16000xf32, #tpu.memory_space<vmem>>[vector<16xi32>], vector<16xf32>,
          %xor3A_384 = vector.broadcast %scan3A_337 : i32 to vector<16xi32>
          %xor3A_385 = arith.xori %and3A_292, %xor3A_384 : vector<16xi32>
          %add3A_386 = arith.addi %mul3A_215, %xor3A_385 : vector<16xi32>
          %gather3A_387 = tpu.vector_load_idx %arg5[%add3A_386] : memref<16000xf32, #tpu.memory_space<vmem>>[vector<16xi32>], vector<16xf32>,
          %xor3A_388 = vector.broadcast %scan3A_337 : i32 to vector<16xi32>
          %xor3A_389 = arith.xori %and3A_295, %xor3A_388 : vector<16xi32>
          %add3A_390 = arith.addi %mul3A_218, %xor3A_389 : vector<16xi32>
          %gather3A_391 = tpu.vector_load_idx %arg5[%add3A_390] : memref<16000xf32, #tpu.memory_space<vmem>>[vector<16xi32>], vector<16xf32>,
          %xor3A_392 = vector.broadcast %scan3A_337 : i32 to vector<16xi32>
          %xor3A_393 = arith.xori %and3A_298, %xor3A_392 : vector<16xi32>
          %add3A_394 = arith.addi %mul3A_221, %xor3A_393 : vector<16xi32>
          %gather3A_395 = tpu.vector_load_idx %arg5[%add3A_394] : memref<16000xf32, #tpu.memory_space<vmem>>[vector<16xi32>], vector<16xf32>,
          %xor3A_396 = vector.broadcast %scan3A_337 : i32 to vector<16xi32>
          %xor3A_397 = arith.xori %and3A_301, %xor3A_396 : vector<16xi32>
          %add3A_398 = arith.addi %mul3A_224, %xor3A_397 : vector<16xi32>
          %gather3A_399 = tpu.vector_load_idx %arg5[%add3A_398] : memref<16000xf32, #tpu.memory_space<vmem>>[vector<16xi32>], vector<16xf32>,
          %xor3A_400 = vector.broadcast %scan3A_337 : i32 to vector<16xi32>
          %xor3A_401 = arith.xori %and3A_304, %xor3A_400 : vector<16xi32>
          %add3A_402 = arith.addi %mul3A_227, %xor3A_401 : vector<16xi32>
          %gather3A_403 = tpu.vector_load_idx %arg5[%add3A_402] : memref<16000xf32, #tpu.memory_space<vmem>>[vector<16xi32>], vector<16xf32>,
          %xor3A_404 = vector.broadcast %scan3A_337 : i32 to vector<16xi32>
          %xor3A_405 = arith.xori %and3A_307, %xor3A_404 : vector<16xi32>
          %add3A_406 = arith.addi %mul3A_230, %xor3A_405 : vector<16xi32>
          %gather3A_407 = tpu.vector_load_idx %arg5[%add3A_406] : memref<16000xf32, #tpu.memory_space<vmem>>[vector<16xi32>], vector<16xf32>,
          %xor3A_408 = vector.broadcast %scan3A_337 : i32 to vector<16xi32>
          %xor3A_409 = arith.xori %and3A_310, %xor3A_408 : vector<16xi32>
          %add3A_410 = arith.addi %mul3A_233, %xor3A_409 : vector<16xi32>
          %gather3A_411 = tpu.vector_load_idx %arg5[%add3A_410] : memref<16000xf32, #tpu.memory_space<vmem>>[vector<16xi32>], vector<16xf32>,
          %xor3A_412 = vector.broadcast %scan3A_337 : i32 to vector<16xi32>
          %xor3A_413 = arith.xori %and3A_313, %xor3A_412 : vector<16xi32>
          %add3A_414 = arith.addi %mul3A_236, %xor3A_413 : vector<16xi32>
          %gather3A_415 = tpu.vector_load_idx %arg5[%add3A_414] : memref<16000xf32, #tpu.memory_space<vmem>>[vector<16xi32>], vector<16xf32>,
          %xor3A_416 = vector.broadcast %scan3A_337 : i32 to vector<16xi32>
          %xor3A_417 = arith.xori %and3A_316, %xor3A_416 : vector<16xi32>
          %add3A_418 = arith.addi %mul3A_239, %xor3A_417 : vector<16xi32>
          %gather3A_419 = tpu.vector_load_idx %arg5[%add3A_418] : memref<16000xf32, #tpu.memory_space<vmem>>[vector<16xi32>], vector<16xf32>,
          %xor3A_420 = vector.broadcast %scan3A_337 : i32 to vector<16xi32>
          %xor3A_421 = arith.xori %and3A_319, %xor3A_420 : vector<16xi32>
          %add3A_422 = arith.addi %mul3A_242, %xor3A_421 : vector<16xi32>
          %gather3A_423 = tpu.vector_load_idx %arg5[%add3A_422] : memref<16000xf32, #tpu.memory_space<vmem>>[vector<16xi32>], vector<16xf32>,
          %xor3A_424 = vector.broadcast %scan3A_337 : i32 to vector<16xi32>
          %xor3A_425 = arith.xori %and3A_322, %xor3A_424 : vector<16xi32>
          %add3A_426 = arith.addi %mul3A_245, %xor3A_425 : vector<16xi32>
          %gather3A_427 = tpu.vector_load_idx %arg5[%add3A_426] : memref<16000xf32, #tpu.memory_space<vmem>>[vector<16xi32>], vector<16xf32>,
          %xor3A_428 = vector.broadcast %scan3A_337 : i32 to vector<16xi32>
          %xor3A_429 = arith.xori %and3A_325, %xor3A_428 : vector<16xi32>
          %add3A_430 = arith.addi %mul3A_248, %xor3A_429 : vector<16xi32>
          %gather3A_431 = tpu.vector_load_idx %arg5[%add3A_430] : memref<16000xf32, #tpu.memory_space<vmem>>[vector<16xi32>], vector<16xf32>,
          %xor3A_432 = vector.broadcast %scan3A_337 : i32 to vector<16xi32>
          %xor3A_433 = arith.xori %and3A_328, %xor3A_432 : vector<16xi32>
          %add3A_434 = arith.addi %mul3A_251, %xor3A_433 : vector<16xi32>
          %gather3A_435 = tpu.vector_load_idx %arg5[%add3A_434] : memref<16000xf32, #tpu.memory_space<vmem>>[vector<16xi32>], vector<16xf32>,
          %xor3A_436 = vector.broadcast %scan3A_337 : i32 to vector<16xi32>
          %xor3A_437 = arith.xori %and3A_331, %xor3A_436 : vector<16xi32>
          %add3A_438 = arith.addi %mul3A_254, %xor3A_437 : vector<16xi32>
          %gather3A_439 = tpu.vector_load_idx %arg5[%add3A_438] : memref<16000xf32, #tpu.memory_space<vmem>>[vector<16xi32>], vector<16xf32>,
          %mul3A_440 = arith.mulf %gather3A, %gather3A : vector<16xf32>
          %mul3A_441 = arith.mulf %gather3A_343, %gather3A_343 : vector<16xf32>
          %mul3A_442 = arith.mulf %gather3A_347, %gather3A_347 : vector<16xf32>
          %mul3A_443 = arith.mulf %gather3A_351, %gather3A_351 : vector<16xf32>
          %mul3A_444 = arith.mulf %gather3A_355, %gather3A_355 : vector<16xf32>
          %mul3A_445 = arith.mulf %gather3A_359, %gather3A_359 : vector<16xf32>
          %mul3A_446 = arith.mulf %gather3A_363, %gather3A_363 : vector<16xf32>
          %mul3A_447 = arith.mulf %gather3A_367, %gather3A_367 : vector<16xf32>
          %mul3A_448 = arith.mulf %gather3A_371, %gather3A_371 : vector<16xf32>
          %mul3A_449 = arith.mulf %gather3A_375, %gather3A_375 : vector<16xf32>
          %mul3A_450 = arith.mulf %gather3A_379, %gather3A_379 : vector<16xf32>
          %mul3A_451 = arith.mulf %gather3A_383, %gather3A_383 : vector<16xf32>
          %mul3A_452 = arith.mulf %gather3A_387, %gather3A_387 : vector<16xf32>
          %mul3A_453 = arith.mulf %gather3A_391, %gather3A_391 : vector<16xf32>
          %mul3A_454 = arith.mulf %gather3A_395, %gather3A_395 : vector<16xf32>
          %mul3A_455 = arith.mulf %gather3A_399, %gather3A_399 : vector<16xf32>
          %mul3A_456 = arith.mulf %gather3A_403, %gather3A_403 : vector<16xf32>
          %mul3A_457 = arith.mulf %gather3A_407, %gather3A_407 : vector<16xf32>
          %mul3A_458 = arith.mulf %gather3A_411, %gather3A_411 : vector<16xf32>
          %mul3A_459 = arith.mulf %gather3A_415, %gather3A_415 : vector<16xf32>
          %mul3A_460 = arith.mulf %gather3A_419, %gather3A_419 : vector<16xf32>
          %mul3A_461 = arith.mulf %gather3A_423, %gather3A_423 : vector<16xf32>
          %mul3A_462 = arith.mulf %gather3A_427, %gather3A_427 : vector<16xf32>
          %mul3A_463 = arith.mulf %gather3A_431, %gather3A_431 : vector<16xf32>
          %mul3A_464 = arith.mulf %gather3A_435, %gather3A_435 : vector<16xf32>
          %mul3A_465 = arith.mulf %gather3A_439, %gather3A_439 : vector<16xf32>
          %add3A_466 = arith.addf %mul3A_440, %mul3A_441 : vector<16xf32>
          %add3A_467 = arith.addf %mul3A_442, %mul3A_443 : vector<16xf32>
          %add3A_468 = arith.addf %mul3A_444, %mul3A_445 : vector<16xf32>
          %add3A_469 = arith.addf %mul3A_446, %mul3A_447 : vector<16xf32>
          %add3A_470 = arith.addf %mul3A_448, %mul3A_449 : vector<16xf32>
          %add3A_471 = arith.addf %mul3A_450, %mul3A_451 : vector<16xf32>
          %add3A_472 = arith.addf %mul3A_452, %mul3A_453 : vector<16xf32>
          %add3A_473 = arith.addf %mul3A_454, %mul3A_455 : vector<16xf32>
          %add3A_474 = arith.addf %mul3A_456, %mul3A_457 : vector<16xf32>
          %add3A_475 = arith.addf %mul3A_458, %mul3A_459 : vector<16xf32>
          %add3A_476 = arith.addf %mul3A_460, %mul3A_461 : vector<16xf32>
          %add3A_477 = arith.addf %mul3A_462, %mul3A_463 : vector<16xf32>
          %add3A_478 = arith.addf %mul3A_464, %mul3A_465 : vector<16xf32>
          %add3A_479 = arith.addf %add3A_466, %add3A_467 : vector<16xf32>
          %add3A_480 = arith.addf %add3A_468, %add3A_469 : vector<16xf32>
          %add3A_481 = arith.addf %add3A_470, %add3A_471 : vector<16xf32>
          %add3A_482 = arith.addf %add3A_472, %add3A_473 : vector<16xf32>
          %add3A_483 = arith.addf %add3A_474, %add3A_475 : vector<16xf32>
          %add3A_484 = arith.addf %add3A_476, %add3A_477 : vector<16xf32>
          %add3A_485 = arith.addf %add3A_479, %add3A_480 : vector<16xf32>
          %add3A_486 = arith.addf %add3A_481, %add3A_482 : vector<16xf32>
          %add3A_487 = arith.addf %add3A_483, %add3A_484 : vector<16xf32>
          %add3A_488 = arith.addf %add3A_485, %add3A_486 : vector<16xf32>
          %add3A_489 = arith.addf %add3A_487, %add3A_478 : vector<16xf32>
          %add3A_490 = arith.addf %add3A_488, %add3A_489 : vector<16xf32>
          %bitcast_convert_type3A = tpu.bitcast %add3A_490 : vector<16xf32> -> vector<16xi32>
          %shift_right_arithmetic3A = arith.constant 1 : i32
          %shift_right_arithmetic3A_491 = vector.broadcast %shift_right_arithmetic3A : i32 to vector<16xi32>
          %shift_right_arithmetic3A_492 = arith.shrsi %bitcast_convert_type3A, %shift_right_arithmetic3A_491 : vector<16xi32>
          %sub3A = arith.constant 1597463007 : i32
          %sub3A_493 = vector.broadcast %sub3A : i32 to vector<16xi32>
          %sub3A_494 = arith.subi %sub3A_493, %shift_right_arithmetic3A_492 : vector<16xi32>
          %bitcast_convert_type3A_495 = tpu.bitcast %sub3A_494 : vector<16xi32> -> vector<16xf32>
          %mul3A_496 = arith.constant 5.000000e-01 : f32
          %mul3A_497 = vector.broadcast %mul3A_496 : f32 to vector<16xf32>
          %mul3A_498 = arith.mulf %mul3A_497, %add3A_490 : vector<16xf32>
          %mul3A_499 = arith.mulf %mul3A_498, %bitcast_convert_type3A_495 : vector<16xf32>
          %mul3A_500 = arith.mulf %mul3A_499, %bitcast_convert_type3A_495 : vector<16xf32>
          %sub3A_501 = arith.constant 1.500000e+00 : f32
          %sub3A_502 = vector.broadcast %sub3A_501 : f32 to vector<16xf32>
          %sub3A_503 = arith.subf %sub3A_502, %mul3A_500 : vector<16xf32>
          %mul3A_504 = arith.mulf %bitcast_convert_type3A_495, %sub3A_503 : vector<16xf32>
          %mul3A_505 = arith.constant 5.000000e-01 : f32
          %mul3A_506 = vector.broadcast %mul3A_505 : f32 to vector<16xf32>
          %mul3A_507 = arith.mulf %mul3A_506, %add3A_490 : vector<16xf32>
          %mul3A_508 = arith.mulf %mul3A_507, %mul3A_504 : vector<16xf32>
          %mul3A_509 = arith.mulf %mul3A_508, %mul3A_504 : vector<16xf32>
          %sub3A_510 = arith.constant 1.500000e+00 : f32
          %sub3A_511 = vector.broadcast %sub3A_510 : f32 to vector<16xf32>
          %sub3A_512 = arith.subf %sub3A_511, %mul3A_509 : vector<16xf32>
          %mul3A_513 = arith.mulf %mul3A_504, %sub3A_512 : vector<16xf32>
          %mul3A_514 = arith.mulf %add3A_490, %mul3A_513 : vector<16xf32>
          %max3A = arith.constant 9.99999996E-13 : f32
          %max3A_515 = vector.broadcast %max3A : f32 to vector<16xf32>
          %max3A_516 = arith.maximumf %mul3A_514, %max3A_515 : vector<16xf32>
          %div3A = arith.constant 1.000000e+00 : f32
          %div3A_517 = vector.broadcast %div3A : f32 to vector<16xf32>
          %div3A_518 = arith.divf %div3A_517, %max3A_516 : vector<16xf32>
          %shift_right_arithmetic3A_519 = arith.constant 3 : i32
          %shift_right_arithmetic3A_520 = arith.shrsi %scan3A_337, %shift_right_arithmetic3A_519 : i32
          %and3A_521 = arith.constant 7 : i32
          %and3A_522 = arith.andi %scan3A_337, %and3A_521 : i32
          %mul3A_523 = arith.mulf %gather3A, %div3A_518 : vector<16xf32>
          %mul3A_524 = arith.constant 16 : i32
          %mul3A_525 = arith.muli %scan3A_21, %mul3A_524 : i32
          %swap3A = arith.constant 0 : i32
          %swap3A_526 = arith.index_cast %swap3A : i32 to index
          %swap3A_527 = arith.index_cast %shift_right_arithmetic3A_520 : i32 to index
          %swap3A_528 = arith.index_cast %and3A_522 : i32 to index
          %swap3A_529 = arith.index_cast %mul3A_525 : i32 to index
          %swap3A_530 = tpu.vector_load %arg7[%swap3A_526, %swap3A_527, %swap3A_528, %swap3A_529] {strides = array<i32>} : memref<26x2x8x128xf32, #tpu.memory_space<vmem>>, vector<16xf32>,
          tpu.vector_store %arg7[%swap3A_526, %swap3A_527, %swap3A_528, %swap3A_529], %mul3A_523 {strides = array<i32>} : memref<26x2x8x128xf32, #tpu.memory_space<vmem>>, vector<16xf32>,
          %mul3A_531 = arith.mulf %gather3A_343, %div3A_518 : vector<16xf32>
          %mul3A_532 = arith.constant 16 : i32
          %mul3A_533 = arith.muli %scan3A_21, %mul3A_532 : i32
          %swap3A_534 = arith.constant 1 : i32
          %swap3A_535 = arith.index_cast %swap3A_534 : i32 to index
          %swap3A_536 = arith.index_cast %shift_right_arithmetic3A_520 : i32 to index
          %swap3A_537 = arith.index_cast %and3A_522 : i32 to index
          %swap3A_538 = arith.index_cast %mul3A_533 : i32 to index
          %swap3A_539 = tpu.vector_load %arg7[%swap3A_535, %swap3A_536, %swap3A_537, %swap3A_538] {strides = array<i32>} : memref<26x2x8x128xf32, #tpu.memory_space<vmem>>, vector<16xf32>,
          tpu.vector_store %arg7[%swap3A_535, %swap3A_536, %swap3A_537, %swap3A_538], %mul3A_531 {strides = array<i32>} : memref<26x2x8x128xf32, #tpu.memory_space<vmem>>, vector<16xf32>,
          %mul3A_540 = arith.mulf %gather3A_347, %div3A_518 : vector<16xf32>
          %mul3A_541 = arith.constant 16 : i32
          %mul3A_542 = arith.muli %scan3A_21, %mul3A_541 : i32
          %swap3A_543 = arith.constant 2 : i32
          %swap3A_544 = arith.index_cast %swap3A_543 : i32 to index
          %swap3A_545 = arith.index_cast %shift_right_arithmetic3A_520 : i32 to index
          %swap3A_546 = arith.index_cast %and3A_522 : i32 to index
          %swap3A_547 = arith.index_cast %mul3A_542 : i32 to index
          %swap3A_548 = tpu.vector_load %arg7[%swap3A_544, %swap3A_545, %swap3A_546, %swap3A_547] {strides = array<i32>} : memref<26x2x8x128xf32, #tpu.memory_space<vmem>>, vector<16xf32>,
          tpu.vector_store %arg7[%swap3A_544, %swap3A_545, %swap3A_546, %swap3A_547], %mul3A_540 {strides = array<i32>} : memref<26x2x8x128xf32, #tpu.memory_space<vmem>>, vector<16xf32>,
          %mul3A_549 = arith.mulf %gather3A_351, %div3A_518 : vector<16xf32>
          %mul3A_550 = arith.constant 16 : i32
          %mul3A_551 = arith.muli %scan3A_21, %mul3A_550 : i32
          %swap3A_552 = arith.constant 3 : i32
          %swap3A_553 = arith.index_cast %swap3A_552 : i32 to index
          %swap3A_554 = arith.index_cast %shift_right_arithmetic3A_520 : i32 to index
          %swap3A_555 = arith.index_cast %and3A_522 : i32 to index
          %swap3A_556 = arith.index_cast %mul3A_551 : i32 to index
          %swap3A_557 = tpu.vector_load %arg7[%swap3A_553, %swap3A_554, %swap3A_555, %swap3A_556] {strides = array<i32>} : memref<26x2x8x128xf32, #tpu.memory_space<vmem>>, vector<16xf32>,
          tpu.vector_store %arg7[%swap3A_553, %swap3A_554, %swap3A_555, %swap3A_556], %mul3A_549 {strides = array<i32>} : memref<26x2x8x128xf32, #tpu.memory_space<vmem>>, vector<16xf32>,
          %mul3A_558 = arith.mulf %gather3A_355, %div3A_518 : vector<16xf32>
          %mul3A_559 = arith.constant 16 : i32
          %mul3A_560 = arith.muli %scan3A_21, %mul3A_559 : i32
          %swap3A_561 = arith.constant 4 : i32
          %swap3A_562 = arith.index_cast %swap3A_561 : i32 to index
          %swap3A_563 = arith.index_cast %shift_right_arithmetic3A_520 : i32 to index
          %swap3A_564 = arith.index_cast %and3A_522 : i32 to index
          %swap3A_565 = arith.index_cast %mul3A_560 : i32 to index
          %swap3A_566 = tpu.vector_load %arg7[%swap3A_562, %swap3A_563, %swap3A_564, %swap3A_565] {strides = array<i32>} : memref<26x2x8x128xf32, #tpu.memory_space<vmem>>, vector<16xf32>,
          tpu.vector_store %arg7[%swap3A_562, %swap3A_563, %swap3A_564, %swap3A_565], %mul3A_558 {strides = array<i32>} : memref<26x2x8x128xf32, #tpu.memory_space<vmem>>, vector<16xf32>,
          %mul3A_567 = arith.mulf %gather3A_359, %div3A_518 : vector<16xf32>
          %mul3A_568 = arith.constant 16 : i32
          %mul3A_569 = arith.muli %scan3A_21, %mul3A_568 : i32
          %swap3A_570 = arith.constant 5 : i32
          %swap3A_571 = arith.index_cast %swap3A_570 : i32 to index
          %swap3A_572 = arith.index_cast %shift_right_arithmetic3A_520 : i32 to index
          %swap3A_573 = arith.index_cast %and3A_522 : i32 to index
          %swap3A_574 = arith.index_cast %mul3A_569 : i32 to index
          %swap3A_575 = tpu.vector_load %arg7[%swap3A_571, %swap3A_572, %swap3A_573, %swap3A_574] {strides = array<i32>} : memref<26x2x8x128xf32, #tpu.memory_space<vmem>>, vector<16xf32>,
          tpu.vector_store %arg7[%swap3A_571, %swap3A_572, %swap3A_573, %swap3A_574], %mul3A_567 {strides = array<i32>} : memref<26x2x8x128xf32, #tpu.memory_space<vmem>>, vector<16xf32>,
          %mul3A_576 = arith.mulf %gather3A_363, %div3A_518 : vector<16xf32>
          %mul3A_577 = arith.constant 16 : i32
          %mul3A_578 = arith.muli %scan3A_21, %mul3A_577 : i32
          %swap3A_579 = arith.constant 6 : i32
          %swap3A_580 = arith.index_cast %swap3A_579 : i32 to index
          %swap3A_581 = arith.index_cast %shift_right_arithmetic3A_520 : i32 to index
          %swap3A_582 = arith.index_cast %and3A_522 : i32 to index
          %swap3A_583 = arith.index_cast %mul3A_578 : i32 to index
          %swap3A_584 = tpu.vector_load %arg7[%swap3A_580, %swap3A_581, %swap3A_582, %swap3A_583] {strides = array<i32>} : memref<26x2x8x128xf32, #tpu.memory_space<vmem>>, vector<16xf32>,
          tpu.vector_store %arg7[%swap3A_580, %swap3A_581, %swap3A_582, %swap3A_583], %mul3A_576 {strides = array<i32>} : memref<26x2x8x128xf32, #tpu.memory_space<vmem>>, vector<16xf32>,
          %mul3A_585 = arith.mulf %gather3A_367, %div3A_518 : vector<16xf32>
          %mul3A_586 = arith.constant 16 : i32
          %mul3A_587 = arith.muli %scan3A_21, %mul3A_586 : i32
          %swap3A_588 = arith.constant 7 : i32
          %swap3A_589 = arith.index_cast %swap3A_588 : i32 to index
          %swap3A_590 = arith.index_cast %shift_right_arithmetic3A_520 : i32 to index
          %swap3A_591 = arith.index_cast %and3A_522 : i32 to index
          %swap3A_592 = arith.index_cast %mul3A_587 : i32 to index
          %swap3A_593 = tpu.vector_load %arg7[%swap3A_589, %swap3A_590, %swap3A_591, %swap3A_592] {strides = array<i32>} : memref<26x2x8x128xf32, #tpu.memory_space<vmem>>, vector<16xf32>,
          tpu.vector_store %arg7[%swap3A_589, %swap3A_590, %swap3A_591, %swap3A_592], %mul3A_585 {strides = array<i32>} : memref<26x2x8x128xf32, #tpu.memory_space<vmem>>, vector<16xf32>,
          %mul3A_594 = arith.mulf %gather3A_371, %div3A_518 : vector<16xf32>
          %mul3A_595 = arith.constant 16 : i32
          %mul3A_596 = arith.muli %scan3A_21, %mul3A_595 : i32
          %swap3A_597 = arith.constant 8 : i32
          %swap3A_598 = arith.index_cast %swap3A_597 : i32 to index
          %swap3A_599 = arith.index_cast %shift_right_arithmetic3A_520 : i32 to index
          %swap3A_600 = arith.index_cast %and3A_522 : i32 to index
          %swap3A_601 = arith.index_cast %mul3A_596 : i32 to index
          %swap3A_602 = tpu.vector_load %arg7[%swap3A_598, %swap3A_599, %swap3A_600, %swap3A_601] {strides = array<i32>} : memref<26x2x8x128xf32, #tpu.memory_space<vmem>>, vector<16xf32>,
          tpu.vector_store %arg7[%swap3A_598, %swap3A_599, %swap3A_600, %swap3A_601], %mul3A_594 {strides = array<i32>} : memref<26x2x8x128xf32, #tpu.memory_space<vmem>>, vector<16xf32>,
          %mul3A_603 = arith.mulf %gather3A_375, %div3A_518 : vector<16xf32>
          %mul3A_604 = arith.constant 16 : i32
          %mul3A_605 = arith.muli %scan3A_21, %mul3A_604 : i32
          %swap3A_606 = arith.constant 9 : i32
          %swap3A_607 = arith.index_cast %swap3A_606 : i32 to index
          %swap3A_608 = arith.index_cast %shift_right_arithmetic3A_520 : i32 to index
          %swap3A_609 = arith.index_cast %and3A_522 : i32 to index
          %swap3A_610 = arith.index_cast %mul3A_605 : i32 to index
          %swap3A_611 = tpu.vector_load %arg7[%swap3A_607, %swap3A_608, %swap3A_609, %swap3A_610] {strides = array<i32>} : memref<26x2x8x128xf32, #tpu.memory_space<vmem>>, vector<16xf32>,
          tpu.vector_store %arg7[%swap3A_607, %swap3A_608, %swap3A_609, %swap3A_610], %mul3A_603 {strides = array<i32>} : memref<26x2x8x128xf32, #tpu.memory_space<vmem>>, vector<16xf32>,
          %mul3A_612 = arith.mulf %gather3A_379, %div3A_518 : vector<16xf32>
          %mul3A_613 = arith.constant 16 : i32
          %mul3A_614 = arith.muli %scan3A_21, %mul3A_613 : i32
          %swap3A_615 = arith.constant 10 : i32
          %swap3A_616 = arith.index_cast %swap3A_615 : i32 to index
          %swap3A_617 = arith.index_cast %shift_right_arithmetic3A_520 : i32 to index
          %swap3A_618 = arith.index_cast %and3A_522 : i32 to index
          %swap3A_619 = arith.index_cast %mul3A_614 : i32 to index
          %swap3A_620 = tpu.vector_load %arg7[%swap3A_616, %swap3A_617, %swap3A_618, %swap3A_619] {strides = array<i32>} : memref<26x2x8x128xf32, #tpu.memory_space<vmem>>, vector<16xf32>,
          tpu.vector_store %arg7[%swap3A_616, %swap3A_617, %swap3A_618, %swap3A_619], %mul3A_612 {strides = array<i32>} : memref<26x2x8x128xf32, #tpu.memory_space<vmem>>, vector<16xf32>,
          %mul3A_621 = arith.mulf %gather3A_383, %div3A_518 : vector<16xf32>
          %mul3A_622 = arith.constant 16 : i32
          %mul3A_623 = arith.muli %scan3A_21, %mul3A_622 : i32
          %swap3A_624 = arith.constant 11 : i32
          %swap3A_625 = arith.index_cast %swap3A_624 : i32 to index
          %swap3A_626 = arith.index_cast %shift_right_arithmetic3A_520 : i32 to index
          %swap3A_627 = arith.index_cast %and3A_522 : i32 to index
          %swap3A_628 = arith.index_cast %mul3A_623 : i32 to index
          %swap3A_629 = tpu.vector_load %arg7[%swap3A_625, %swap3A_626, %swap3A_627, %swap3A_628] {strides = array<i32>} : memref<26x2x8x128xf32, #tpu.memory_space<vmem>>, vector<16xf32>,
          tpu.vector_store %arg7[%swap3A_625, %swap3A_626, %swap3A_627, %swap3A_628], %mul3A_621 {strides = array<i32>} : memref<26x2x8x128xf32, #tpu.memory_space<vmem>>, vector<16xf32>,
          %mul3A_630 = arith.mulf %gather3A_387, %div3A_518 : vector<16xf32>
          %mul3A_631 = arith.constant 16 : i32
          %mul3A_632 = arith.muli %scan3A_21, %mul3A_631 : i32
          %swap3A_633 = arith.constant 12 : i32
          %swap3A_634 = arith.index_cast %swap3A_633 : i32 to index
          %swap3A_635 = arith.index_cast %shift_right_arithmetic3A_520 : i32 to index
          %swap3A_636 = arith.index_cast %and3A_522 : i32 to index
          %swap3A_637 = arith.index_cast %mul3A_632 : i32 to index
          %swap3A_638 = tpu.vector_load %arg7[%swap3A_634, %swap3A_635, %swap3A_636, %swap3A_637] {strides = array<i32>} : memref<26x2x8x128xf32, #tpu.memory_space<vmem>>, vector<16xf32>,
          tpu.vector_store %arg7[%swap3A_634, %swap3A_635, %swap3A_636, %swap3A_637], %mul3A_630 {strides = array<i32>} : memref<26x2x8x128xf32, #tpu.memory_space<vmem>>, vector<16xf32>,
          %mul3A_639 = arith.mulf %gather3A_391, %div3A_518 : vector<16xf32>
          %mul3A_640 = arith.constant 16 : i32
          %mul3A_641 = arith.muli %scan3A_21, %mul3A_640 : i32
          %swap3A_642 = arith.constant 13 : i32
          %swap3A_643 = arith.index_cast %swap3A_642 : i32 to index
          %swap3A_644 = arith.index_cast %shift_right_arithmetic3A_520 : i32 to index
          %swap3A_645 = arith.index_cast %and3A_522 : i32 to index
          %swap3A_646 = arith.index_cast %mul3A_641 : i32 to index
          %swap3A_647 = tpu.vector_load %arg7[%swap3A_643, %swap3A_644, %swap3A_645, %swap3A_646] {strides = array<i32>} : memref<26x2x8x128xf32, #tpu.memory_space<vmem>>, vector<16xf32>,
          tpu.vector_store %arg7[%swap3A_643, %swap3A_644, %swap3A_645, %swap3A_646], %mul3A_639 {strides = array<i32>} : memref<26x2x8x128xf32, #tpu.memory_space<vmem>>, vector<16xf32>,
          %mul3A_648 = arith.mulf %gather3A_395, %div3A_518 : vector<16xf32>
          %mul3A_649 = arith.constant 16 : i32
          %mul3A_650 = arith.muli %scan3A_21, %mul3A_649 : i32
          %swap3A_651 = arith.constant 14 : i32
          %swap3A_652 = arith.index_cast %swap3A_651 : i32 to index
          %swap3A_653 = arith.index_cast %shift_right_arithmetic3A_520 : i32 to index
          %swap3A_654 = arith.index_cast %and3A_522 : i32 to index
          %swap3A_655 = arith.index_cast %mul3A_650 : i32 to index
          %swap3A_656 = tpu.vector_load %arg7[%swap3A_652, %swap3A_653, %swap3A_654, %swap3A_655] {strides = array<i32>} : memref<26x2x8x128xf32, #tpu.memory_space<vmem>>, vector<16xf32>,
          tpu.vector_store %arg7[%swap3A_652, %swap3A_653, %swap3A_654, %swap3A_655], %mul3A_648 {strides = array<i32>} : memref<26x2x8x128xf32, #tpu.memory_space<vmem>>, vector<16xf32>,
          %mul3A_657 = arith.mulf %gather3A_399, %div3A_518 : vector<16xf32>
          %mul3A_658 = arith.constant 16 : i32
          %mul3A_659 = arith.muli %scan3A_21, %mul3A_658 : i32
          %swap3A_660 = arith.constant 15 : i32
          %swap3A_661 = arith.index_cast %swap3A_660 : i32 to index
          %swap3A_662 = arith.index_cast %shift_right_arithmetic3A_520 : i32 to index
          %swap3A_663 = arith.index_cast %and3A_522 : i32 to index
          %swap3A_664 = arith.index_cast %mul3A_659 : i32 to index
          %swap3A_665 = tpu.vector_load %arg7[%swap3A_661, %swap3A_662, %swap3A_663, %swap3A_664] {strides = array<i32>} : memref<26x2x8x128xf32, #tpu.memory_space<vmem>>, vector<16xf32>,
          tpu.vector_store %arg7[%swap3A_661, %swap3A_662, %swap3A_663, %swap3A_664], %mul3A_657 {strides = array<i32>} : memref<26x2x8x128xf32, #tpu.memory_space<vmem>>, vector<16xf32>,
          %mul3A_666 = arith.mulf %gather3A_403, %div3A_518 : vector<16xf32>
          %mul3A_667 = arith.constant 16 : i32
          %mul3A_668 = arith.muli %scan3A_21, %mul3A_667 : i32
          %swap3A_669 = arith.constant 16 : i32
          %swap3A_670 = arith.index_cast %swap3A_669 : i32 to index
          %swap3A_671 = arith.index_cast %shift_right_arithmetic3A_520 : i32 to index
          %swap3A_672 = arith.index_cast %and3A_522 : i32 to index
          %swap3A_673 = arith.index_cast %mul3A_668 : i32 to index
          %swap3A_674 = tpu.vector_load %arg7[%swap3A_670, %swap3A_671, %swap3A_672, %swap3A_673] {strides = array<i32>} : memref<26x2x8x128xf32, #tpu.memory_space<vmem>>, vector<16xf32>,
          tpu.vector_store %arg7[%swap3A_670, %swap3A_671, %swap3A_672, %swap3A_673], %mul3A_666 {strides = array<i32>} : memref<26x2x8x128xf32, #tpu.memory_space<vmem>>, vector<16xf32>,
          %mul3A_675 = arith.mulf %gather3A_407, %div3A_518 : vector<16xf32>
          %mul3A_676 = arith.constant 16 : i32
          %mul3A_677 = arith.muli %scan3A_21, %mul3A_676 : i32
          %swap3A_678 = arith.constant 17 : i32
          %swap3A_679 = arith.index_cast %swap3A_678 : i32 to index
          %swap3A_680 = arith.index_cast %shift_right_arithmetic3A_520 : i32 to index
          %swap3A_681 = arith.index_cast %and3A_522 : i32 to index
          %swap3A_682 = arith.index_cast %mul3A_677 : i32 to index
          %swap3A_683 = tpu.vector_load %arg7[%swap3A_679, %swap3A_680, %swap3A_681, %swap3A_682] {strides = array<i32>} : memref<26x2x8x128xf32, #tpu.memory_space<vmem>>, vector<16xf32>,
          tpu.vector_store %arg7[%swap3A_679, %swap3A_680, %swap3A_681, %swap3A_682], %mul3A_675 {strides = array<i32>} : memref<26x2x8x128xf32, #tpu.memory_space<vmem>>, vector<16xf32>,
          %mul3A_684 = arith.mulf %gather3A_411, %div3A_518 : vector<16xf32>
          %mul3A_685 = arith.constant 16 : i32
          %mul3A_686 = arith.muli %scan3A_21, %mul3A_685 : i32
          %swap3A_687 = arith.constant 18 : i32
          %swap3A_688 = arith.index_cast %swap3A_687 : i32 to index
          %swap3A_689 = arith.index_cast %shift_right_arithmetic3A_520 : i32 to index
          %swap3A_690 = arith.index_cast %and3A_522 : i32 to index
          %swap3A_691 = arith.index_cast %mul3A_686 : i32 to index
          %swap3A_692 = tpu.vector_load %arg7[%swap3A_688, %swap3A_689, %swap3A_690, %swap3A_691] {strides = array<i32>} : memref<26x2x8x128xf32, #tpu.memory_space<vmem>>, vector<16xf32>,
          tpu.vector_store %arg7[%swap3A_688, %swap3A_689, %swap3A_690, %swap3A_691], %mul3A_684 {strides = array<i32>} : memref<26x2x8x128xf32, #tpu.memory_space<vmem>>, vector<16xf32>,
          %mul3A_693 = arith.mulf %gather3A_415, %div3A_518 : vector<16xf32>
          %mul3A_694 = arith.constant 16 : i32
          %mul3A_695 = arith.muli %scan3A_21, %mul3A_694 : i32
          %swap3A_696 = arith.constant 19 : i32
          %swap3A_697 = arith.index_cast %swap3A_696 : i32 to index
          %swap3A_698 = arith.index_cast %shift_right_arithmetic3A_520 : i32 to index
          %swap3A_699 = arith.index_cast %and3A_522 : i32 to index
          %swap3A_700 = arith.index_cast %mul3A_695 : i32 to index
          %swap3A_701 = tpu.vector_load %arg7[%swap3A_697, %swap3A_698, %swap3A_699, %swap3A_700] {strides = array<i32>} : memref<26x2x8x128xf32, #tpu.memory_space<vmem>>, vector<16xf32>,
          tpu.vector_store %arg7[%swap3A_697, %swap3A_698, %swap3A_699, %swap3A_700], %mul3A_693 {strides = array<i32>} : memref<26x2x8x128xf32, #tpu.memory_space<vmem>>, vector<16xf32>,
          %mul3A_702 = arith.mulf %gather3A_419, %div3A_518 : vector<16xf32>
          %mul3A_703 = arith.constant 16 : i32
          %mul3A_704 = arith.muli %scan3A_21, %mul3A_703 : i32
          %swap3A_705 = arith.constant 20 : i32
          %swap3A_706 = arith.index_cast %swap3A_705 : i32 to index
          %swap3A_707 = arith.index_cast %shift_right_arithmetic3A_520 : i32 to index
          %swap3A_708 = arith.index_cast %and3A_522 : i32 to index
          %swap3A_709 = arith.index_cast %mul3A_704 : i32 to index
          %swap3A_710 = tpu.vector_load %arg7[%swap3A_706, %swap3A_707, %swap3A_708, %swap3A_709] {strides = array<i32>} : memref<26x2x8x128xf32, #tpu.memory_space<vmem>>, vector<16xf32>,
          tpu.vector_store %arg7[%swap3A_706, %swap3A_707, %swap3A_708, %swap3A_709], %mul3A_702 {strides = array<i32>} : memref<26x2x8x128xf32, #tpu.memory_space<vmem>>, vector<16xf32>,
          %mul3A_711 = arith.mulf %gather3A_423, %div3A_518 : vector<16xf32>
          %mul3A_712 = arith.constant 16 : i32
          %mul3A_713 = arith.muli %scan3A_21, %mul3A_712 : i32
          %swap3A_714 = arith.constant 21 : i32
          %swap3A_715 = arith.index_cast %swap3A_714 : i32 to index
          %swap3A_716 = arith.index_cast %shift_right_arithmetic3A_520 : i32 to index
          %swap3A_717 = arith.index_cast %and3A_522 : i32 to index
          %swap3A_718 = arith.index_cast %mul3A_713 : i32 to index
          %swap3A_719 = tpu.vector_load %arg7[%swap3A_715, %swap3A_716, %swap3A_717, %swap3A_718] {strides = array<i32>} : memref<26x2x8x128xf32, #tpu.memory_space<vmem>>, vector<16xf32>,
          tpu.vector_store %arg7[%swap3A_715, %swap3A_716, %swap3A_717, %swap3A_718], %mul3A_711 {strides = array<i32>} : memref<26x2x8x128xf32, #tpu.memory_space<vmem>>, vector<16xf32>,
          %mul3A_720 = arith.mulf %gather3A_427, %div3A_518 : vector<16xf32>
          %mul3A_721 = arith.constant 16 : i32
          %mul3A_722 = arith.muli %scan3A_21, %mul3A_721 : i32
          %swap3A_723 = arith.constant 22 : i32
          %swap3A_724 = arith.index_cast %swap3A_723 : i32 to index
          %swap3A_725 = arith.index_cast %shift_right_arithmetic3A_520 : i32 to index
          %swap3A_726 = arith.index_cast %and3A_522 : i32 to index
          %swap3A_727 = arith.index_cast %mul3A_722 : i32 to index
          %swap3A_728 = tpu.vector_load %arg7[%swap3A_724, %swap3A_725, %swap3A_726, %swap3A_727] {strides = array<i32>} : memref<26x2x8x128xf32, #tpu.memory_space<vmem>>, vector<16xf32>,
          tpu.vector_store %arg7[%swap3A_724, %swap3A_725, %swap3A_726, %swap3A_727], %mul3A_720 {strides = array<i32>} : memref<26x2x8x128xf32, #tpu.memory_space<vmem>>, vector<16xf32>,
          %mul3A_729 = arith.mulf %gather3A_431, %div3A_518 : vector<16xf32>
          %mul3A_730 = arith.constant 16 : i32
          %mul3A_731 = arith.muli %scan3A_21, %mul3A_730 : i32
          %swap3A_732 = arith.constant 23 : i32
          %swap3A_733 = arith.index_cast %swap3A_732 : i32 to index
          %swap3A_734 = arith.index_cast %shift_right_arithmetic3A_520 : i32 to index
          %swap3A_735 = arith.index_cast %and3A_522 : i32 to index
          %swap3A_736 = arith.index_cast %mul3A_731 : i32 to index
          %swap3A_737 = tpu.vector_load %arg7[%swap3A_733, %swap3A_734, %swap3A_735, %swap3A_736] {strides = array<i32>} : memref<26x2x8x128xf32, #tpu.memory_space<vmem>>, vector<16xf32>,
          tpu.vector_store %arg7[%swap3A_733, %swap3A_734, %swap3A_735, %swap3A_736], %mul3A_729 {strides = array<i32>} : memref<26x2x8x128xf32, #tpu.memory_space<vmem>>, vector<16xf32>,
          %mul3A_738 = arith.mulf %gather3A_435, %div3A_518 : vector<16xf32>
          %mul3A_739 = arith.constant 16 : i32
          %mul3A_740 = arith.muli %scan3A_21, %mul3A_739 : i32
          %swap3A_741 = arith.constant 24 : i32
          %swap3A_742 = arith.index_cast %swap3A_741 : i32 to index
          %swap3A_743 = arith.index_cast %shift_right_arithmetic3A_520 : i32 to index
          %swap3A_744 = arith.index_cast %and3A_522 : i32 to index
          %swap3A_745 = arith.index_cast %mul3A_740 : i32 to index
          %swap3A_746 = tpu.vector_load %arg7[%swap3A_742, %swap3A_743, %swap3A_744, %swap3A_745] {strides = array<i32>} : memref<26x2x8x128xf32, #tpu.memory_space<vmem>>, vector<16xf32>,
          tpu.vector_store %arg7[%swap3A_742, %swap3A_743, %swap3A_744, %swap3A_745], %mul3A_738 {strides = array<i32>} : memref<26x2x8x128xf32, #tpu.memory_space<vmem>>, vector<16xf32>,
          %mul3A_747 = arith.mulf %gather3A_439, %div3A_518 : vector<16xf32>
          %mul3A_748 = arith.constant 16 : i32
          %mul3A_749 = arith.muli %scan3A_21, %mul3A_748 : i32
          %swap3A_750 = arith.constant 25 : i32
          %swap3A_751 = arith.index_cast %swap3A_750 : i32 to index
          %swap3A_752 = arith.index_cast %shift_right_arithmetic3A_520 : i32 to index
          %swap3A_753 = arith.index_cast %and3A_522 : i32 to index
          %swap3A_754 = arith.index_cast %mul3A_749 : i32 to index
          %swap3A_755 = tpu.vector_load %arg7[%swap3A_751, %swap3A_752, %swap3A_753, %swap3A_754] {strides = array<i32>} : memref<26x2x8x128xf32, #tpu.memory_space<vmem>>, vector<16xf32>,
          tpu.vector_store %arg7[%swap3A_751, %swap3A_752, %swap3A_753, %swap3A_754], %mul3A_747 {strides = array<i32>} : memref<26x2x8x128xf32, #tpu.memory_space<vmem>>, vector<16xf32>,
        }
        %scan3A_336 = arith.constant 16 : i32
      }
      %scan3A_20 = arith.constant 8 : i32
      "tpu.region"() ({
        %run_scoped3A = tpu.sem_alloc : memref<!tpu.dma_semaphore, #tpu.memory_space<semaphore_mem>>
        %dma_start3A = arith.constant 0 : i32
        %dma_start3A_21 = arith.constant 0 : i32
        %dma_start3A_22 = arith.constant 0 : i32
        %dma_start3A_23 = arith.constant 0 : i32
        %dma_start3A_24 = tpu.memref_slice %arg4[%dma_start3A, %dma_start3A_21, %add3A_13, %dma_start3A_22, %dma_start3A_23] : memref<26x2x128x8x128xf32, #tpu.memory_space<hbm>> -> memref<26x2x1x8x128xf32, #tpu.memory_space<hbm>>
        %dma_start3A_25 = tpu.memref_squeeze %dma_start3A_24 : memref<26x2x1x8x128xf32, #tpu.memory_space<hbm>> -> memref<26x2x8x128xf32, #tpu.memory_space<hbm>>
        %dma_start3A_26 = arith.constant 0 : i32
        %dma_start3A_27 = arith.constant 0 : i32
        %dma_start3A_28 = arith.constant 0 : i32
        %dma_start3A_29 = arith.constant 0 : i32
        %dma_start3A_30 = tpu.memref_slice %arg4[%dma_start3A_26, %dma_start3A_27, %add3A_13, %dma_start3A_28, %dma_start3A_29] : memref<26x2x128x8x128xf32, #tpu.memory_space<hbm>> -> memref<26x2x1x8x128xf32, #tpu.memory_space<hbm>>
        %dma_start3A_31 = tpu.memref_squeeze %dma_start3A_30 : memref<26x2x1x8x128xf32, #tpu.memory_space<hbm>> -> memref<26x2x8x128xf32, #tpu.memory_space<hbm>>
        tpu.enqueue_dma source(%arg7 : memref<26x2x8x128xf32, #tpu.memory_space<vmem>>) target(%dma_start3A_31 : memref<26x2x8x128xf32, #tpu.memory_space<hbm>>) target_semaphore(%run_scoped3A : memref<!tpu.dma_semaphore, #tpu.memory_space<semaphore_mem>>)
        %dma_wait3A = arith.constant 0 : i32
        %dma_wait3A_32 = arith.constant 0 : i32
        %dma_wait3A_33 = arith.constant 0 : i32
        %dma_wait3A_34 = arith.constant 0 : i32
        %dma_wait3A_35 = tpu.memref_slice %arg4[%dma_wait3A, %dma_wait3A_32, %add3A_13, %dma_wait3A_33, %dma_wait3A_34] : memref<26x2x128x8x128xf32, #tpu.memory_space<hbm>> -> memref<26x2x1x8x128xf32, #tpu.memory_space<hbm>>
        %dma_wait3A_36 = tpu.memref_squeeze %dma_wait3A_35 : memref<26x2x1x8x128xf32, #tpu.memory_space<hbm>> -> memref<26x2x8x128xf32, #tpu.memory_space<hbm>>
        %dma_wait3A_37 = arith.constant 0 : i32
        %dma_wait3A_38 = arith.constant 0 : i32
        %dma_wait3A_39 = arith.constant 0 : i32
        %dma_wait3A_40 = arith.constant 0 : i32
        %dma_wait3A_41 = tpu.memref_slice %arg4[%dma_wait3A_37, %dma_wait3A_38, %add3A_13, %dma_wait3A_39, %dma_wait3A_40] : memref<26x2x128x8x128xf32, #tpu.memory_space<hbm>> -> memref<26x2x1x8x128xf32, #tpu.memory_space<hbm>>
        %dma_wait3A_42 = tpu.memref_squeeze %dma_wait3A_41 : memref<26x2x1x8x128xf32, #tpu.memory_space<hbm>> -> memref<26x2x8x128xf32, #tpu.memory_space<hbm>>
        tpu.wait_dma2 semaphore(%run_scoped3A : memref<!tpu.dma_semaphore, #tpu.memory_space<semaphore_mem>>) src(%arg7 : memref<26x2x8x128xf32, #tpu.memory_space<vmem>>) dst(%dma_wait3A_42 : memref<26x2x8x128xf32, #tpu.memory_space<hbm>>)
        tpu.yield
      }) : () -> ()
    }
    %scan3A_9 = arith.constant 4 : i32
    return
  }
}

</mosaic_0001>

<sc_bundles>
// kernel: kernel.3.cloned.1.call-start
scs
__scs_entry_jumppad:
0x0: {  	(pc) =	sbr.rel $0x88, $3  }
0x1: {  	(tag) =	ssettag $0x0;
	lr =	simm.s32 $0x1  }
0x2: {  	[smem:$0x3F9F] =	sst lr;
	_ =	strace $0xD0000000  }
0x3: {  	_ = 	snop  }
0x4: {  	_ = 	snop  }
0x5: {  	_ = 	snop  }
0x6: {  	_ = 	snop  }
0x7: {  	_ = 	snop  }
__scs_overlays_trampoline_lowered:
0x8: {  	[smem:$0x3FAE] =	sst s0  }
0x9: {  	[smem:$0x3FAF] =	sst s1  }
0xa: {  	[smem:$0x3FB0] =	sst s2  }
0xb: {  	[smem:$0x3FB1] =	sst s3  }
0xc: {  	[smem:$0x3FB2] =	sst s4  }
0xd: {  	[smem:$0x3FB3] =	sst s5  }
0xe: {  	[smem:$0x3FB4] =	sst s6  }
0xf: {  	[smem:$0x3FB5] =	sst s7  }
0x10: {  	[smem:$0x3FB6] =	sst s8  }
0x11: {  	[smem:$0x3FB7] =	sst s9;
	s0 =	simm.s32 @!p0 $0x0  }
0x12: {  	s1 =	sld [smem:$0x3F9D];
	s0 =	simm.s32 @p0 $0x1  }
0x13: {  	[smem:$0x3FB8] =	sst s0;
	s0 =	simm.s32 @!p1 $0x0  }
0x14: {  	s2 =	sld [smem:$0x3F9C];
	s0 =	simm.s32 @p1 $0x1  }
0x15: {  	[smem:$0x3FB9] =	sst s0;
	s0 =	simm.s32 @!p2 $0x0  }
0x16: {  	s3 =	sld [smem:$0x3FDB];
	s0 =	simm.s32 @p2 $0x1  }
0x17: {  	s4 =	simm.s32 $0x1BF5;
	[smem:$0x3FBB] =	sst s0  }
0x18: {  	s0 =	sld [smem:$0x3F9E];
	_ =	swait.ge [sflag:s4], $0x0  }
0x19: {  	s7 =	sld [smem:$0x3F9F]  }
0x1a: {  	s8 =	sadd.s32 $0xFFFFE003, lr  }
0x1b: {  	s9 =	sadd.s32 $0xFFFFFEF7, lr;
	s5 =	simm.s32 $0xFFFFFFFF;
	p2 =	slt.u32 s8, $0xFFFFF086  }
0x1c: {  	p1 =	slt.u32 s9, $0xF7A;
	s5 =	simm.s32 @!p2 $0x0  }
0x1d: {  	s5 =	simm.s32 @p1 $0x1;
	p0 =	seq.s32 s7, s2  }
0x1e: {  	s7 =	smul.u32 @!p0 $0xF7A, s2;
	p2 =	seq.s32 @!p0 s5, $0x0  }
0x1f: {  	s9 =	smul.u32 $0xF7A, s1;
	s8 =	simm.s32 @!p0 $0x1BF5;
	p2 =	por !p2, p0  }
0x20: {  	[sflag:s8] =	ssyncset.s32 @!p0 $0xFFFFF086;
	s6 =	sadd.s32 @!p0 s3, s7;
	s7 =	simm.s32 @!p0 $0x108  }
0x21: {  	s3 =	sadd.s32 s3, s9;
	s6 =	sadd.s32 @!p0 $0x88, s6;
	s7 =	simm.s32 @p2 $0x1082  }
0x22: {  	[simem:s7], [sflag:s8] =	dma.local @!p0 [hbm:s6], $0xF7A  }
0x23: {  	s9 =	sor.u32 $0xD0000000, s2;
	s6 =	simm.s32 $0x108;
	_ =	swait.ge @!p0 [sflag:s8], $0x0  }
0x24: {  	s3 =	sadd.s32 $0x88, s3;
	s6 =	simm.s32 @!p1 $0x1082;
	[sflag:s4] =	ssyncset.s32 $0xFFFFF086  }
0x25: {  	[simem:s6], [sflag:s4] =	dma.local [hbm:s3], $0xF7A  }
0x26: {  	[smem:$0x3F9F] =	sst s1;
	(tag) =	ssettag s2;
	_ =	strace s9  }
0x27: {  	s1 =	sld [smem:$0x3FAF]  }
0x28: {  	s2 =	sld [smem:$0x3FB0]  }
0x29: {  	s4 =	sld [smem:$0x3FB2]  }
0x2a: {  	p0 =	seq.s32 s5, $0x0;
	s5 =	sld [smem:$0x3FB3]  }
0x2b: {  	s6 =	sld [smem:$0x3FB4]  }
0x2c: {  	s7 =	sld [smem:$0x3FB5]  }
0x2d: {  	s3 =	simm.s32 $0x108;
	s8 =	sld [smem:$0x3FB6]  }
0x2e: {  	s3 =	simm.s32 @!p0 $0x1082;
	s9 =	sld [smem:$0x3FB7]  }
0x2f: {  	lr =	sadd.s32 s0, s3;
	s0 =	sld [smem:$0x3FAE]  }
0x30: {  	s3 =	sld [smem:$0x3FB1]  }
0x31: {  	[smem:$0x3FBA] =	sst s10  }
0x32: {  	s10 =	sld [smem:$0x3FB8];
	_ =	sdelay $0x3  }
0x33: {  	p0 =	seq.s32 s10, $0x1;
	s10 =	sld [smem:$0x3FBA];
	_ =	sdelay $0x3  }
0x34: {  	[smem:$0x3FBA] =	sst s10  }
0x35: {  	s10 =	sld [smem:$0x3FB9];
	_ =	sdelay $0x3  }
0x36: {  	p1 =	seq.s32 s10, $0x1;
	s10 =	sld [smem:$0x3FBA];
	_ =	sdelay $0x3  }
0x37: {  	[smem:$0x3FBA] =	sst s10  }
0x38: {  	s10 =	sld [smem:$0x3FBB]  }
0x39: {  	_ = 	snop;
	(pc) =	sbr.ind lr, $3  }
0x3a: {  	_ = 	snop  }
0x3b: {  	_ = 	snop  }
0x3c: {  	p2 =	seq.s32 s10, $0x1;
	s10 =	sld [smem:$0x3FBA]  }
0x3d: {  	_ =	shalt  }
0x3e: {  	_ =	shalt  }
0x3f: {  	_ =	shalt  }
0x40: {  	_ =	shalt  }
0x41: {  	_ =	shalt  }
0x42: {  	_ =	shalt  }
0x43: {  	_ =	shalt  }
0x44: {  	_ =	shalt  }
0x45: {  	_ =	shalt  }
0x46: {  	_ =	shalt  }
0x47: {  	_ =	shalt  }
0x48: {  	_ =	shalt  }
0x49: {  	_ =	shalt  }
0x4a: {  	_ =	shalt  }
0x4b: {  	_ =	shalt  }
0x4c: {  	_ =	shalt  }
0x4d: {  	_ =	shalt  }
0x4e: {  	_ =	shalt  }
0x4f: {  	_ =	shalt  }
0x50: {  	_ =	shalt  }
0x51: {  	_ =	shalt  }
0x52: {  	_ =	shalt  }
0x53: {  	_ =	shalt  }
0x54: {  	_ =	shalt  }
0x55: {  	_ =	shalt  }
0x56: {  	_ =	shalt  }
0x57: {  	_ =	shalt  }
0x58: {  	_ =	shalt  }
0x59: {  	_ =	shalt  }
0x5a: {  	_ =	shalt  }
0x5b: {  	_ =	shalt  }
0x5c: {  	_ =	shalt  }
0x5d: {  	_ =	shalt  }
0x5e: {  	_ =	shalt  }
0x5f: {  	_ =	shalt  }
0x60: {  	_ =	shalt  }
0x61: {  	_ =	shalt  }
0x62: {  	_ =	shalt  }
0x63: {  	_ =	shalt  }
0x64: {  	_ =	shalt  }
0x65: {  	_ =	shalt  }
0x66: {  	_ =	shalt  }
0x67: {  	_ =	shalt  }
0x68: {  	_ =	shalt  }
0x69: {  	_ =	shalt  }
0x6a: {  	_ =	shalt  }
0x6b: {  	_ =	shalt  }
0x6c: {  	_ =	shalt  }
0x6d: {  	_ =	shalt  }
0x6e: {  	_ =	shalt  }
0x6f: {  	_ =	shalt  }
0x70: {  	_ =	shalt  }
0x71: {  	_ =	shalt  }
0x72: {  	_ =	shalt  }
0x73: {  	_ =	shalt  }
0x74: {  	_ =	shalt  }
0x75: {  	_ =	shalt  }
0x76: {  	_ =	shalt  }
0x77: {  	_ =	shalt  }
0x78: {  	_ =	shalt  }
0x79: {  	_ =	shalt  }
0x7a: {  	_ =	shalt  }
0x7b: {  	_ =	shalt  }
0x7c: {  	_ =	shalt  }
0x7d: {  	_ =	shalt  }
0x7e: {  	_ =	shalt  }
0x7f: {  	_ =	shalt  }
0x80: {  	_ =	shalt  }
0x81: {  	_ =	shalt  }
0x82: {  	_ =	shalt  }
0x83: {  	_ =	shalt  }
0x84: {  	_ =	shalt  }
0x85: {  	_ =	shalt  }
0x86: {  	_ =	shalt  }
0x87: {  	_ =	shalt  }
.Lfunc_end0:
.L_simem_size_0:
called_computation_lowered:
.L_overlay_start_0:
0x88: {  	s2 =	sld [smem:$0x3FD9]  }
0x89: {  	s3 =	sld [smem:$0x3FFE];
	_ =	sdelay $0x1  }
0x8a: {  	s1 =	srdreg.scid  }
0x8b: {  	s0 =	sand.u32 $0x1, s1  }
0x8c: {  	s17 =	sshll.u32 s0, $0xA;
	s2 =	sadd.s32 s3, s2  }
0x8d: {  	s2 =	sadd.s32 s2, s17  }
0x8e: {  	[smem:$0x3FC6] =	sst s2  }
0x8f: {  	_ = 	snop  }
0x90: {  	s2 =	sld [smem:$0x3FD0];
	(tm) =	ssettm $0x1  }
0x91: {  	s18 =	sld [smem:$0x3FFB];
	_ =	sdelay $0x3  }
0x92: {  	_ =	strace s18  }
0x93: {  	s3 =	sld [smem:$0x3FFC];
	_ =	sdelay $0x3  }
0x94: {  	_ =	strace s3  }
0x95: {  	s3 =	sld [smem:$0x3FFD];
	_ =	sdelay $0x3  }
0x96: {  	_ =	strace s3  }
0x97: {  	_ =	strace $0x8FFFFFFF  }
0x98: {  	s19 =	sld [smem:$0x3FDB];
	_ =	sdelay $0x1  }
0x99: {  	s4 =	simm.s32 $_scs_section_size  }
0x9a: {  	s5 =	simm.s32 $_size__tile_overlayer_lowered;
	s6 =	simm.s32 $_tile_overlayer_lowered  }
0x9b: {  	s22 =	simm.s32 $0x1BFF;
	s21 =	sshll.u32 s6, $0x1;
	s3 =	sadd.s32 s4, s19  }
0x9c: {  	s7 =	simm.s32 $0x0;
	s20 =	sshll.u32 s5, $0x1;
	s5 =	sadd.s32 s21, s3  }
0x9d: {  	[timem:s7], [sflag:s22] =	dma.local [hbm:s5], s20  }
0x9e: {  	_ =	swait.ge [sflag:s22], s20  }
0x9f: {  	s4 =	ssub.s32 $0x0, s20;
	[sflag:s22] =	ssyncset.done $0x0  }
0xa0: {  	[sflag:s22] =	ssyncadd.s32 s4;
	_ =	sdelay $0x1  }
0xa1: {  	s23 =	simm.s32 $0x1B8B  }
0xa2: {  	_ =	swait.ge [sflag:s23], $0x1  }
0xa3: {  	[sflag:s23] =	ssyncset.done $0x0  }
0xa4: {  	s25 =	simm.s32 $0x1B8E;
	s24 =	sld [smem:$0x3FFE];
	[sflag:s23] =	ssyncadd.s32 $0xFFFFFFFF  }
0xa5: {  	s26 =	simm.s32 $execute0_lowered;
	[smem:$0x3FD2] =	sst s25  }
0xa6: {  	s5 =	sshll.u32 s26, $0x1;
	_ =	strace $0x80000046;
	[dreg:$0x1] =	wrdreg $0xFFFFFFFF  }
0xa7: {  	s28 =	simm.s32 $_size_execute0_lowered;
	s3 =	sadd.s32 s3, s5;
	[dreg:$0x0] =	wrdreg $0x0  }
0xa8: {  	s5 =	sshll.u32 s28, $0x1;
	[dreg:$0x2] =	wrdreg s3  }
0xa9: {  	[dreg:$0x3] =	wrdreg s5  }
0xaa: {  	[dreg:$0x4] =	wrdreg $0xC0  }
0xab: {  	_ =	task [dreg:s7], $0x5FFFF  }
0xac: {  	[dreg:$0x1] =	wrdreg $0xFFFFFFFF  }
0xad: {  	[dreg:$0x0] =	wrdreg $0x60  }
0xae: {  	[dreg:$0x2] =	wrdreg s24  }
0xaf: {  	[dreg:$0x3] =	wrdreg s2  }
0xb0: {  	[dreg:$0x4] =	wrdreg $0x9  }
0xb1: {  	_ =	task.clear_ibuf [dreg:s7], $0x5FFFF;
	_ =	strace $0x90000046  }
0xb2: {  	s29 =	simm.s32 $0x9;
	_ =	strace $0x80000048  }
0xb3: {  	_ =	swait.ge [sflag:s29], $0x1  }
0xb4: {  	[sflag:s29] =	ssyncadd.s32 $0xFFFFFFFF  }
0xb5: {  	_ =	strace $0x90000048  }
0xb6: {  	_ =	sfence  }
0xb7: {  	s30 =	sld [smem:$0x0];
	_ =	sdelay $0x2  }
0xb8: {  	s31 =	sshll.u32 s1, $0xD;
	s1 =	sshrl.u32 s1, $0x2  }
0xb9: {  	s3 =	sand.u32 $0x4000, s31;
	s1 =	sadd.s32 s1, s30  }
0xba: {  	s0 =	sor.u32 s3, s0;
	s1 =	sshll.u32 s1, $0x11  }
0xbb: {  	s0 =	sor.u32 s1, s0  }
0xbc: {  	s0 =	sadd.s32 $0x8F2B, s0  }
0xbd: {  	[sflag:s0] =	ssyncadd.remote.s32 $0x1  }
0xbe: {  	_ =	sfence.sel $0xFFFF  }
0xbf: {  	[dreg:$0x0] =	wrdreg $0xFFFFFFFF;
	(pc) =	sbr.abs _section_cstart, $3  }
0xc0: {  	[dreg:$0x1] =	wrdreg $0xFFFFFFFF  }
0xc1: {  	_ =	task.clear_ibuf [dreg:s7], $0x2FFFF;
	_ =	strace $0x9FFFFFFF  }
0xc2: {  	(tm) =	ssettm $0x7FFFFFFF  }
0xc3: {  	_ =	shalt  }
tec
execute0_lowered:
.L_overlay_start_1:
0x0: {  	(tag) =	ssettag $0x1  }
0x1: {  	s5 =	rddreg [dreg:$0x0]  }
0x2: {  	s1 =	rddreg [dreg:$0x1]  }
0x3: {  	s0 =	rddreg [dreg:$0x2];
	s2 =	simm.s32 $0x0;
	s3 =	srdreg.scid  }
0x4: {  	s10 =	simm.s32 $0x4000;
	s11 =	simm.s32 $0x3E80;
	s12 =	simm.s32 $0x400  }
0x5: {  	s13 =	simm.s32 $0x20000;
	s14 =	simm.s32 $0x4B80;
	s15 =	simm.s32 $0x0  }
0x6: {  	[smem:$0x7FF] =	sst s2;
	s6 =	sand.u32 $0x1, s3;
	s4 =	sadd.s32 $0x400, s5  }
0x7: {  	s3 =	stileid.u32;
	s5 =	sadd.s32 $0xC00, s5;
	s7 =	ssub.s32 $0x2, s6  }
0x8: {  	s9 =	sshll.u32 s3, $0x3;
	s6 =	sshll.u32 s6, $0x2;
	s8 =	sshrl.u32 s7, $0x1  }
0x9: {  	_ =	strace $0x80000047;
	s6 =	sor.u32 s6, s9;
	s7 =	ssub.s32 s7, s8  }
0xa: {  	v2 =	vlaneseq.u32;
	s9 =	simm.s32 $0x80;
	s8 =	simm.s32 $0x1;
	s7 =	smax.u32 s7, $0x1  }
.LBB2_1:
0xb: {  	s16 =	sand.u32 $0xF, s2  }
0xc: {  	v0 =	vxor.u32 s16, v2  }
0xd: {  	v0 =	vor.u32 s2, v0  }
0xe: {  	[tilespmem:s2], [sflag:$0x1] =	stream.linear.gather [hbm4b:s4+s2], $0x3E80, $0x38;
	[tilespmem:$0x11B80] =	vst v63  }
0xf: {  	_ =	swait.ge [sflag:s8], $0x3E80  }
0x10: {  	s30 =	simm.s32 $0x1;
	[sflag:s8] =	ssyncset.done $0x0  }
0x11: {  	s16 =	sand.u32 $0xF, s30;
	[sflag:s8] =	ssyncadd.s32 $0xFFFFC180  }
0x12: {  	s17 =	simm.s32 $0x10;
	v1 =	vxor.u32 s16, v2;
	v0 =	vld.idx.msk [tilespmem:v0+s2+$0x0], $0xffff  }
0x13: {  	v1 =	vor.u32 s17, v1;
	_ =	sdelay $0x3  }
0x14: {  	s31 =	simm.s32 $0x2;
	[tilespmem:s2+$0x0] =	vst v0  }
0x15: {  	s19 =	simm.s32 $0x3;
	s18 =	simm.s32 $0x0;
	s20 =	sand.u32 $0xF, s31;
	v0 =	vld.idx.msk [tilespmem:v1+s2+$0x0], $0xffff  }
.LBB2_2:
0x16: {  	p0 =	sne.s32 s19, $0x3E7;
	v1 =	vxor.u32 s20, v2;
	s17 =	sadd.s32 $0x10, s17  }
0x17: {  	v1 =	vor.u32 s17, v1  }
.Ltmp0:
0x18: {  	(pc) =	sbr.rel @p0 .LBB2_2-.Ltmp0, $4  }
0x19: {  	_ = 	snop  }
0x1a: {  	s18 =	sadd.s32 $0x10, s18  }
0x1b: {  	s16 =	simm.s32 $0x0;
	[tilespmem:s18+$0x0] =	vst v0  }
0x1c: {  	s20 =	sand.u32 $0xF, s19;
	s19 =	sadd.s32 $0x1, s19;
	v0 =	vld.idx.msk [tilespmem:v1+s16+$0x0], $0xffff  }
0x1d: {  	v1 =	vxor.u32 s20, v2;
	s17 =	sadd.s32 $0x10, s17  }
0x1e: {  	v1 =	vor.u32 s17, v1;
	_ =	sdelay $0x2  }
0x1f: {  	s31 =	sadd.s32 $0x10, s18  }
0x20: {  	[tilespmem:s31+$0x0] =	vst v0  }
0x21: {  	v0 =	vld.idx.msk [tilespmem:v1+s16+$0x0], $0xffff;
	_ =	sdelay $0x3  }
0x22: {  	s17 =	sadd.s32 $0x10, s31  }
0x23: {  	[tilespmem:s17+$0x0] =	vst v0  }
.LBB2_4:
0x24: {  	s17 =	sadd.s32 s6, s16  }
0x25: {  	s18 =	sshll.u32 s17, $0x4  }
0x26: {  	s18 =	sadd.s32 s5, s18  }
0x27: {  	[tilespmem:s11], [sflag:$0x1] =	stream.strided.gather [hbm4b:s18+s9], $0xD00, s10, s9, $0x38;
	[tilespmem:$0x11B80] =	vst v63  }
0x28: {  	_ =	swait.ge [sflag:s8], $0xD00  }
0x29: {  	[sflag:s8] =	ssyncset.done $0x0  }
0x2a: {  	s18 =	simm.s32 $0x0;
	[sflag:s8] =	ssyncadd.s32 $0xFFFFF300  }
.LBB2_5:
0x2b: {  	s20 =	sshll.u32 s18, $0x4  }
0x2c: {  	v0 =	vld [tilespmem:s20+$0x3E80]  }
0x2d: {  	v4 =	vld [tilespmem:s20+$0x3F00]  }
0x2e: {  	v5 =	vld [tilespmem:s20+$0x3F80]  }
0x2f: {  	v6 =	vld [tilespmem:s20+$0x4080]  }
0x30: {  	v9 =	vld [tilespmem:s20+$0x4100]  }
0x31: {  	v8 =	vld [tilespmem:s20+$0x4180]  }
0x32: {  	v1 =	vld [tilespmem:s20+$0x4300]  }
0x33: {  	v2 =	vld [tilespmem:s20+$0x4380]  }
0x34: {  	v7 =	vld [tilespmem:s20+$0x4400]  }
0x35: {  	v3 =	vld [tilespmem:s20+$0x4480]  }
0x36: {  	v10 =	vld [tilespmem:s20+$0x4500]  }
0x37: {  	v33 =	vld [tilespmem:s20+$0x4580]  }
0x38: {  	v35 =	vld [tilespmem:s20+$0x4600]  }
0x39: {  	v28 =	vld [tilespmem:s20+$0x4680]  }
0x3a: {  	v22 =	vld [tilespmem:s20+$0x4880]  }
0x3b: {  	v27 =	vld [tilespmem:s20+$0x4700]  }
0x3c: {  	v24 =	vld [tilespmem:s20+$0x4A00]  }
0x3d: {  	v25 =	vld [tilespmem:s20+$0x4900];
	v11 =	vshll.u32 v0, $0x4;
	v12 =	vshll.u32 v4, $0x4  }
0x3e: {  	v36 =	vld [tilespmem:s20+$0x4780];
	v13 =	vshll.u32 v5, $0x4;
	v14 =	vshll.u32 v6, $0x4;
	v15 =	vshll.u32 v9, $0x4  }
0x3f: {  	v34 =	vld [tilespmem:s20+$0x4800];
	v16 =	vshll.u32 v8, $0x4;
	v29 =	vshll.u32 v22, $0x4;
	v22 =	vand.u32 $0xF, v22  }
0x40: {  	v26 =	vld [tilespmem:s20+$0x4980];
	v17 =	vshll.u32 v1, $0x4;
	v18 =	vshll.u32 v2, $0x4;
	v19 =	vshll.u32 v7, $0x4;
	[tilespmem:$0x1FE20] =	vst v22  }
0x41: {  	v20 =	vshll.u32 v3, $0x4;
	v37 =	vshll.u32 v24, $0x4;
	v24 =	vand.u32 $0xF, v24;
	[tilespmem:$0x1FE30] =	vst v29  }
0x42: {  	v21 =	vshll.u32 v10, $0x4;
	v23 =	vshll.u32 v33, $0x4;
	v53 =	vand.u32 $0xF, v25;
	[tilespmem:$0x1FE40] =	vst v24  }
0x43: {  	v31 =	vshll.u32 v35, $0x4;
	v32 =	vshll.u32 v28, $0x4;
	v40 =	vshll.u32 v27, $0x4;
	[tilespmem:$0x1FE50] =	vst v53  }
0x44: {  	v41 =	vshll.u32 v36, $0x4;
	v42 =	vshll.u32 v34, $0x4;
	v38 =	vshll.u32 v25, $0x4;
	[tilespmem:$0x1FE60] =	vst v37  }
0x45: {  	v39 =	vshll.u32 v26, $0x4;
	v43 =	vand.u32 $0xF, v0;
	v54 =	vand.u32 $0xF, v26;
	[tilespmem:$0x1FE80] =	vst v38  }
0x46: {  	v55 =	vand.u32 $0xF, v27;
	v56 =	vand.u32 $0xF, v28;
	v57 =	vand.u32 $0xF, v1;
	[tilespmem:$0x1FE90] =	vst v39  }
0x47: {  	s19 =	simm.s32 $0x0;
	v58 =	vand.u32 $0xF, v2;
	v59 =	vand.u32 $0xF, v3;
	v60 =	vand.u32 $0xF, v10;
	[tilespmem:$0x1FEA0] =	vst v55  }
0x48: {  	v61 =	vand.u32 $0xF, v33;
	v2 =	vand.u32 $0xF, v36;
	v0 =	vxor.u32 s19, v22;
	[tilespmem:$0x1FEC0] =	vst v40  }
0x49: {  	v44 =	vld [tilespmem:s20+$0x4200];
	v10 =	vand.u32 $0xF, v35;
	v30 =	vxor.u32 s19, v53;
	[tilespmem:$0x1FEF0] =	vst v2;
	v0 =	vadd.s32 v29, v0  }
0x4a: {  	v1 =	vxor.u32 s19, v56;
	[tilespmem:$0x1FF00] =	vst v42;
	v29 =	vxor.u32 s19, v24;
	v38 =	vadd.s32 v38, v30  }
0x4b: {  	v46 =	vld [tilespmem:s20+$0x4000];
	v2 =	vxor.u32 s19, v2;
	[tilespmem:$0x1FF10] =	vst v10;
	v30 =	vxor.u32 s19, v55;
	v37 =	vadd.s32 v37, v29  }
0x4c: {  	v48 =	vld [tilespmem:s20+$0x4280];
	v25 =	vxor.u32 s19, v59;
	[tilespmem:$0x1FF60] =	vst v43;
	v29 =	vxor.u32 s19, v54;
	v40 =	vadd.s32 v40, v30  }
0x4d: {  	v26 =	vld [tilespmem:s20+$0x4B00];
	v33 =	vxor.u32 s19, v43;
	[tilespmem:$0x1FFA0] =	vst v57;
	v57 =	vxor.u32 s19, v57;
	v39 =	vadd.s32 v39, v29  }
0x4e: {  	[tilespmem:$0x1FFB0] =	vst v58;
	v58 =	vxor.u32 s19, v58;
	v43 =	vshll.u32 v44, $0x4;
	v35 =	vadd.s32 v11, v33;
	v28 =	vld.idx.msk [tilespmem:v0+s2+$0x0], $0xffff  }
0x4f: {  	[tilespmem:$0x1FF20] =	vst v41;
	v44 =	vand.u32 $0xF, v44;
	v1 =	vadd.s32 v32, v1;
	v0 =	vand.u32 $0xF, v34;
	v30 =	vld.idx.msk [tilespmem:v38+s2+$0x0], $0xffff  }
0x50: {  	v51 =	vadd.s32 v18, v58;
	v52 =	vadd.s32 v20, v25;
	v29 =	vld.idx.msk [tilespmem:v37+s2+$0x0], $0xffff;
	[tilespmem:$0x1FEE0] =	vst v0;
	v0 =	vxor.u32 s19, v0  }
0x51: {  	[tilespmem:$0x1FF30] =	vst v61;
	v58 =	vxor.u32 s19, v44;
	v27 =	vld.idx.msk [tilespmem:v40+s2+$0x0], $0xffff;
	v40 =	vand.u32 $0xF, v6;
	v3 =	vadd.s32 v42, v0  }
0x52: {  	[tilespmem:$0x1FF50] =	vst v59;
	v0 =	vxor.u32 s19, v10;
	v62 =	vld.idx.msk [tilespmem:v39+s2+$0x0], $0xffff;
	v10 =	vadd.s32 v41, v2;
	v2 =	vxor.u32 s19, v61  }
0x53: {  	[tilespmem:$0x1FF70] =	vst v23;
	v24 =	vld.idx.msk [tilespmem:v35+s2+$0x0], $0xffff;
	v41 =	vand.u32 $0xF, v9;
	v42 =	vand.u32 $0xF, v7;
	v63 =	vadd.s32 v31, v0  }
0x54: {  	[tilespmem:$0x1FF80] =	vst v60;
	v34 =	vadd.s32 v23, v2;
	v23 =	vld.idx.msk [tilespmem:v1+s2+$0x0], $0xffff;
	v2 =	vxor.u32 s19, v60;
	v0 =	vand.u32 $0xF, v4  }
0x55: {  	[tilespmem:$0x1FFC0] =	vst v21;
	v1 =	vand.u32 $0xF, v8;
	v47 =	vadd.s32 v21, v2;
	v21 =	vld.idx.msk [tilespmem:v51+s2+$0x0], $0xffff;
	v59 =	vmul.f32 v28, v28  }
0x56: {  	v8 =	vadd.s32 v17, v57;
	v45 =	vmul.f32 v30, v30;
	v49 =	vmul.f32 v29, v29;
	v22 =	vld.idx.msk [tilespmem:v3+s2+$0x0], $0xffff  }
0x57: {  	[tilespmem:$0x1FFF0] =	vst v17;
	v2 =	vand.u32 $0xF, v5;
	v61 =	vmul.f32 v27, v27;
	v50 =	vmul.f32 v62, v62;
	v17 =	vld.idx.msk [tilespmem:v10+s2+$0x0], $0xffff  }
0x58: {  	[tilespmem:$0x1FF90] =	vst v11;
	v39 =	vmovc v1;
	v11 =	vmovc v62;
	v53 =	vadd.f32 v45, v59;
	v10 =	vxor.u32 s19, v1;
	v62 =	vxor.u32 s19, v42;
	v1 =	vld [tilespmem:s20+$0x4A80]  }
0x59: {  	[tilespmem:$0x1FFD0] =	vst v18;
	v45 =	vshll.u32 v46, $0x4;
	v18 =	vld.idx.msk [tilespmem:v63+s2+$0x0], $0xffff;
	v6 =	vadd.s32 v16, v10;
	v10 =	vxor.u32 s19, v41  }
0x5a: {  	[tilespmem:$0x1FFE0] =	vst v20;
	v36 =	vmovc v16;
	v46 =	vand.u32 $0xF, v46;
	v59 =	vxor.u32 s19, v0;
	v20 =	vld.idx.msk [tilespmem:v34+s2+$0x0], $0xffff;
	v10 =	vadd.s32 v15, v10  }
0x5b: {  	v35 =	vmovc v15;
	v63 =	vxor.u32 s19, v40;
	v50 =	vadd.f32 v49, v50;
	v16 =	vld.idx.msk [tilespmem:v47+s2+$0x0], $0xffff;
	v49 =	vadd.s32 v19, v62  }
0x5c: {  	v38 =	vmovc v0;
	v60 =	vmul.f32 v23, v23;
	v0 =	vxor.u32 s19, v46;
	v15 =	vld.idx.msk [tilespmem:v52+s2+$0x0], $0xffff;
	v25 =	vadd.s32 v14, v63  }
0x5d: {  	v37 =	vmovc v19;
	v19 =	vld.idx.msk [tilespmem:v8+s2+$0x0], $0xffff;
	v62 =	vxor.u32 s19, v2;
	v63 =	vadd.s32 v12, v59;
	v4 =	vadd.s32 v45, v0  }
0x5e: {  	v34 =	vmovc v14;
	v47 =	vand.u32 $0xF, v48;
	v55 =	vadd.f32 v61, v60;
	v61 =	vadd.s32 v43, v58;
	v14 =	vld.idx.msk [tilespmem:v6+s2+$0x0], $0xffff  }
0x5f: {  	[tilespmem:$0x1FED0] =	vst v32;
	v32 =	vmovc v12;
	v48 =	vshll.u32 v48, $0x4;
	v62 =	vadd.s32 v13, v62;
	v12 =	vxor.u32 s19, v47;
	v59 =	vld.idx.msk [tilespmem:v10+s2+$0x0], $0xffff  }
0x60: {  	[tilespmem:$0x1FF40] =	vst v31;
	v7 =	vadd.s32 v48, v12;
	v53 =	vadd.f32 v50, v53;
	v60 =	vld.idx.msk [tilespmem:v49+s2+$0x0], $0xffff  }
0x61: {  	v31 =	vmovc v2;
	v50 =	vshll.u32 v26, $0x4;
	v3 =	vmul.f32 v22, v22;
	v2 =	vmul.f32 v17, v17;
	v57 =	vld.idx.msk [tilespmem:v25+s2+$0x0], $0xffff  }
0x62: {  	[tilespmem:$0x1FE70] =	vst v54;
	v51 =	vshll.u32 v1, $0x4;
	v52 =	vand.u32 $0xF, v1;
	v49 =	vand.u32 $0xF, v26;
	v10 =	vld.idx.msk [tilespmem:v4+s2+$0x0], $0xffff  }
0x63: {  	[tilespmem:$0x1FEB0] =	vst v56;
	v33 =	vmovc v13;
	v13 =	vmul.f32 v20, v20;
	v58 =	vxor.u32 s19, v52;
	v61 =	vld.idx.msk [tilespmem:v61+s2+$0x0], $0xffff;
	v0 =	vxor.u32 s19, v49  }
0x64: {  	v1 =	vmul.f32 v18, v18;
	v6 =	vadd.f32 v3, v2;
	v56 =	vld.idx.msk [tilespmem:v62+s2+$0x0], $0xffff;
	v5 =	vadd.s32 v50, v0  }
0x65: {  	v3 =	vmul.f32 v21, v21;
	v58 =	vadd.s32 v51, v58;
	v2 =	vmul.f32 v16, v16;
	v62 =	vld.idx.msk [tilespmem:v63+s2+$0x0], $0xffff  }
0x66: {  	v8 =	vadd.f32 v1, v13;
	v54 =	vld.idx.msk [tilespmem:v7+s2+$0x0], $0xffff;
	v25 =	vmul.f32 v59, v59;
	v0 =	vmul.f32 v57, v57  }
0x67: {  	v9 =	vadd.f32 v6, v55;
	v55 =	vmul.f32 v24, v24;
	v1 =	vmul.f32 v60, v60  }
0x68: {  	v26 =	vmul.f32 v14, v14;
	v7 =	vadd.f32 v25, v0;
	v0 =	vmul.f32 v15, v15  }
0x69: {  	v6 =	vadd.f32 v1, v3;
	v25 =	vld.idx.msk [tilespmem:v5+s2+$0x0], $0xffff;
	v3 =	vmul.f32 v56, v56;
	v5 =	vmul.f32 v61, v61  }
0x6a: {  	v58 =	vld.idx.msk [tilespmem:v58+s2+$0x0], $0xffff;
	v1 =	vmul.f32 v10, v10;
	v4 =	vadd.f32 v2, v0;
	v2 =	vmul.f32 v62, v62  }
0x6b: {  	v5 =	vadd.f32 v5, v26;
	v26 =	vmul.f32 v54, v54;
	v0 =	vmul.f32 v19, v19  }
0x6c: {  	v1 =	vadd.f32 v1, v3;
	v2 =	vadd.f32 v2, v55  }
0x6d: {  	v0 =	vadd.f32 v0, v26;
	v3 =	vadd.f32 v5, v7  }
0x6e: {  	v4 =	vadd.f32 v8, v4;
	v1 =	vadd.f32 v1, v2  }
0x6f: {  	v5 =	vmul.f32 v58, v58;
	v0 =	vadd.f32 v6, v0;
	v2 =	vmul.f32 v25, v25  }
0x70: {  	v6 =	vadd.f32 v53, v9;
	v1 =	vadd.f32 v3, v1  }
0x71: {  	v0 =	vadd.f32 v4, v0;
	v2 =	vadd.f32 v2, v5;
	_ =	sdelay $0x1  }
0x72: {  	v0 =	vadd.f32 v0, v1;
	v1 =	vadd.f32 v2, v6;
	_ =	sdelay $0x1  }
0x73: {  	v0 =	vadd.f32 v1, v0;
	_ =	sdelay $0x1  }
0x74: {  	v1 =	vshra.s32 v0, $0x1;
	v2 =	vmul.f32 $5.000000000e-01, v0  }
0x75: {  	v1 =	vsub.s32 $0x5F3759DF, v1  }
0x76: {  	v3 =	vmul.f32 v1, v2;
	_ =	sdelay $0x1  }
0x77: {  	v3 =	vmul.f32 v1, v3;
	_ =	sdelay $0x1  }
0x78: {  	v3 =	vsub.f32 $1.500000000e+00, v3;
	_ =	sdelay $0x1  }
0x79: {  	v1 =	vmul.f32 v1, v3;
	_ =	sdelay $0x1  }
0x7a: {  	v2 =	vmul.f32 v1, v2;
	_ =	sdelay $0x1  }
0x7b: {  	v2 =	vmul.f32 v2, v1;
	_ =	sdelay $0x1  }
0x7c: {  	v2 =	vsub.f32 $1.500000000e+00, v2;
	_ =	sdelay $0x1  }
0x7d: {  	v1 =	vmul.f32 v2, v1;
	_ =	sdelay $0x1  }
0x7e: {  	v0 =	vmul.f32 v1, v0;
	_ =	sdelay $0x1  }
0x7f: {  	v0 =	vmax.f32 v0, $9.999999960e-13  }
0x80: {  	(erf) = vrcp.f32 v0;
	_ =	sdelay $0x6  }
0x81: {  	v53 =	vmov s20;
	_ =	sdelay $0x1  }
0x82: {  	v0 =	vpop (erf)  }
0x83: {  	v1 =	vmul.f32 v0, v24  }
0x84: {  	s21 =	sand.u32 $0x780, s19;
	v2 =	vmul.f32 v0, v62  }
0x85: {  	[tilespmem:v53+s21+$0x4B80 ss:$0x1] =	vst.idx.msk $0xffff, v1;
	v1 =	vmul.f32 v0, v56  }
0x86: {  	[tilespmem:v53+s21+$0x5380 ss:$0x1] =	vst.idx.msk $0xffff, v2;
	v2 =	vmul.f32 v0, v10  }
0x87: {  	[tilespmem:v53+s21+$0x5B80 ss:$0x1] =	vst.idx.msk $0xffff, v1;
	v1 =	vmul.f32 v0, v57  }
0x88: {  	[tilespmem:v53+s21+$0x6380 ss:$0x1] =	vst.idx.msk $0xffff, v2;
	v2 =	vmul.f32 v0, v59  }
0x89: {  	v3 =	vmul.f32 v0, v61;
	[tilespmem:v53+s21+$0x6B80 ss:$0x1] =	vst.idx.msk $0xffff, v1;
	v1 =	vmul.f32 v0, v14  }
0x8a: {  	v4 =	vmul.f32 v0, v19;
	v6 =	vmul.f32 v0, v60;
	[tilespmem:v53+s21+$0x7380 ss:$0x1] =	vst.idx.msk $0xffff, v2  }
0x8b: {  	v7 =	vmul.f32 v0, v15;
	v2 =	vmul.f32 v0, v54;
	[tilespmem:v53+s21+$0x7B80 ss:$0x1] =	vst.idx.msk $0xffff, v1  }
0x8c: {  	v63 =	vmul.f32 v0, v20;
	v8 =	vmul.f32 v0, v18;
	[tilespmem:v53+s21+$0x8380 ss:$0x1] =	vst.idx.msk $0xffff, v3  }
0x8d: {  	v60 =	vmul.f32 v0, v23;
	v1 =	vmul.f32 v0, v21;
	[tilespmem:v53+s21+$0x8B80 ss:$0x1] =	vst.idx.msk $0xffff, v2  }
0x8e: {  	v9 =	vmul.f32 v0, v27;
	v5 =	vmul.f32 v0, v22;
	[tilespmem:v53+s21+$0x9380 ss:$0x1] =	vst.idx.msk $0xffff, v4  }
0x8f: {  	v10 =	vmul.f32 v0, v16;
	v59 =	vmul.f32 v0, v17;
	[tilespmem:v53+s21+$0x9B80 ss:$0x1] =	vst.idx.msk $0xffff, v1  }
0x90: {  	v3 =	vmul.f32 v0, v30;
	v2 =	vmul.f32 v0, v29;
	[tilespmem:v53+s21+$0xA380 ss:$0x1] =	vst.idx.msk $0xffff, v6  }
0x91: {  	v4 =	vmul.f32 v0, v11;
	v1 =	vmul.f32 v0, v58;
	[tilespmem:v53+s21+$0xAB80 ss:$0x1] =	vst.idx.msk $0xffff, v7  }
0x92: {  	s20 =	simm.s32 $0x1;
	v6 =	vmul.f32 v0, v28;
	v0 =	vmul.f32 v0, v25;
	[tilespmem:v53+s21+$0xB380 ss:$0x1] =	vst.idx.msk $0xffff, v10  }
.LBB2_6:
0x93: {  	[tilespmem:v53+s21+$0xBB80 ss:$0x1] =	vst.idx.msk $0xffff, v63  }
0x94: {  	[tilespmem:v53+s21+$0xC380 ss:$0x1] =	vst.idx.msk $0xffff, v8  }
0x95: {  	[tilespmem:v53+s21+$0xCB80 ss:$0x1] =	vst.idx.msk $0xffff, v60  }
0x96: {  	v7 =	vld [tilespmem:$0x1FE70];
	[tilespmem:v53+s21+$0xD380 ss:$0x1] =	vst.idx.msk $0xffff, v9  }
0x97: {  	v8 =	vld [tilespmem:$0x1FE20];
	[tilespmem:v53+s21+$0xDB80 ss:$0x1] =	vst.idx.msk $0xffff, v59  }
0x98: {  	[tilespmem:v53+s21+$0xE380 ss:$0x1] =	vst.idx.msk $0xffff, v5;
	v5 =	vld [tilespmem:$0x1FE30]  }
0x99: {  	v9 =	vld [tilespmem:$0x1FE90];
	_ =	sdelay $0x1  }
0x9a: {  	s22 =	smov.u32 s20  }
0x9b: {  	v8 =	vxor.u32 s22, v8  }
0x9c: {  	v7 =	vxor.u32 s22, v7;
	v5 =	vadd.s32 v5, v8;
	v8 =	vld [tilespmem:$0x1FE40]  }
0x9d: {  	v7 =	vadd.s32 v9, v7;
	v9 =	vld [tilespmem:$0x1FE60];
	_ =	sdelay $0x3  }
0x9e: {  	[tilespmem:v53+s21+$0xEB80 ss:$0x1] =	vst.idx.msk $0xffff, v6;
	v6 =	vld [tilespmem:$0x1FE50];
	v8 =	vxor.u32 s22, v8  }
0x9f: {  	v8 =	vadd.s32 v9, v8;
	v9 =	vld [tilespmem:$0x1FE80];
	_ =	sdelay $0x3  }
0xa0: {  	[tilespmem:v53+s21+$0xF380 ss:$0x1] =	vst.idx.msk $0xffff, v3;
	v3 =	vld [tilespmem:$0x1FEE0];
	v6 =	vxor.u32 s22, v6  }
0xa1: {  	v6 =	vadd.s32 v9, v6;
	v9 =	vld [tilespmem:$0x1FF00];
	_ =	sdelay $0x3  }
0xa2: {  	[tilespmem:v53+s21+$0xFB80 ss:$0x1] =	vst.idx.msk $0xffff, v4;
	v4 =	vld [tilespmem:$0x1FEF0];
	v3 =	vxor.u32 s22, v3  }
0xa3: {  	[tilespmem:v53+s21+$0x10380 ss:$0x1] =	vst.idx.msk $0xffff, v2;
	v3 =	vadd.s32 v9, v3;
	v9 =	vld [tilespmem:$0x1FF20]  }
0xa4: {  	[tilespmem:v53+s21+$0x10B80 ss:$0x1] =	vst.idx.msk $0xffff, v1;
	v1 =	vld [tilespmem:$0x1FEB0]  }
0xa5: {  	v10 =	vld [tilespmem:$0x1FED0];
	_ =	sdelay $0x1  }
0xa6: {  	v2 =	vld [tilespmem:$0x1FEA0];
	v4 =	vxor.u32 s22, v4  }
0xa7: {  	v4 =	vadd.s32 v9, v4;
	v9 =	vld [tilespmem:$0x1FEC0]  }
0xa8: {  	v11 =	vld [tilespmem:$0x1FF40];
	v1 =	vxor.u32 s22, v1  }
0xa9: {  	v12 =	vld [tilespmem:$0x1FFC0];
	v1 =	vadd.s32 v10, v1  }
0xaa: {  	[tilespmem:v53+s21+$0x11380 ss:$0x1] =	vst.idx.msk $0xffff, v0;
	v0 =	vld [tilespmem:$0x1FF50]  }
0xab: {  	v2 =	vxor.u32 s22, v2;
	v54 =	vld.idx.msk [tilespmem:v5+s2+$0x0], $0xffff  }
0xac: {  	v2 =	vadd.s32 v9, v2;
	v9 =	vld [tilespmem:$0x1FF10]  }
0xad: {  	v5 =	vld [tilespmem:$0x1FF60]  }
0xae: {  	v60 =	vld.idx.msk [tilespmem:v1+s2+$0x0], $0xffff;
	v1 =	vxor.u32 s22, v38  }
0xaf: {  	v17 =	vadd.s32 v32, v1;
	v1 =	vld [tilespmem:$0x1FFE0]  }
0xb0: {  	v56 =	vld.idx.msk [tilespmem:v6+s2+$0x0], $0xffff  }
0xb1: {  	v6 =	vld [tilespmem:$0x1FF90];
	v9 =	vxor.u32 s22, v9  }
0xb2: {  	v9 =	vadd.s32 v11, v9;
	v11 =	vld [tilespmem:$0x1FF80]  }
0xb3: {  	v16 =	vld [tilespmem:$0x1FFD0]  }
0xb4: {  	v10 =	vld [tilespmem:$0x1FF30]  }
0xb5: {  	v0 =	vxor.u32 s22, v0;
	v58 =	vld.idx.msk [tilespmem:v3+s2+$0x0], $0xffff  }
0xb6: {  	v5 =	vxor.u32 s22, v5;
	v1 =	vadd.s32 v1, v0;
	v3 =	vld [tilespmem:$0x1FFB0]  }
0xb7: {  	v5 =	vadd.s32 v6, v5;
	v6 =	vxor.u32 s22, v46;
	v57 =	vxor.u32 s22, v11;
	v11 =	vld [tilespmem:$0x1FF70]  }
0xb8: {  	v15 =	vld [tilespmem:$0x1FFF0];
	v18 =	vadd.s32 v45, v6  }
0xb9: {  	v55 =	vld.idx.msk [tilespmem:v8+s2+$0x0], $0xffff  }
0xba: {  	v17 =	vld.idx.msk [tilespmem:v17+s2+$0x0], $0xffff  }
0xbb: {  	v10 =	vxor.u32 s22, v10;
	v1 =	vld.idx.msk [tilespmem:v1+s2+$0x0], $0xffff;
	v3 =	vxor.u32 s22, v3  }
0xbc: {  	v16 =	vadd.s32 v16, v3;
	v3 =	vld.idx.msk [tilespmem:v5+s2+$0x0], $0xffff;
	v10 =	vadd.s32 v11, v10  }
0xbd: {  	v18 =	vld.idx.msk [tilespmem:v18+s2+$0x0], $0xffff  }
0xbe: {  	v12 =	vadd.s32 v12, v57;
	v57 =	vld.idx.msk [tilespmem:v7+s2+$0x0], $0xffff  }
0xbf: {  	v14 =	vxor.u32 s22, v41;
	v11 =	vld [tilespmem:$0x1FFA0]  }
0xc0: {  	v13 =	vxor.u32 s22, v47;
	v62 =	vxor.u32 s22, v31;
	v14 =	vadd.s32 v35, v14;
	v59 =	vld.idx.msk [tilespmem:v2+s2+$0x0], $0xffff  }
0xc1: {  	v26 =	vadd.s32 v48, v13;
	v8 =	vxor.u32 s22, v39;
	v27 =	vmul.f32 v60, v60;
	v63 =	vld.idx.msk [tilespmem:v10+s2+$0x0], $0xffff  }
0xc2: {  	v2 =	vxor.u32 s22, v40;
	v7 =	vadd.s32 v36, v8;
	v10 =	vadd.s32 v33, v62;
	v62 =	vld.idx.msk [tilespmem:v4+s2+$0x0], $0xffff  }
0xc3: {  	v20 =	vadd.s32 v34, v2;
	v61 =	vld.idx.msk [tilespmem:v9+s2+$0x0], $0xffff;
	v9 =	vmul.f32 v55, v55;
	v8 =	vxor.u32 s22, v44  }
0xc4: {  	v2 =	vld.idx.msk [tilespmem:v16+s2+$0x0], $0xffff;
	v19 =	vadd.s32 v43, v8;
	v8 =	vmul.f32 v57, v57;
	v25 =	vxor.u32 s22, v11  }
0xc5: {  	v5 =	vmul.f32 v56, v56;
	v0 =	vld.idx.msk [tilespmem:v12+s2+$0x0], $0xffff;
	v4 =	vmul.f32 v54, v54;
	v15 =	vadd.s32 v15, v25  }
0xc6: {  	v6 =	vmul.f32 v58, v58;
	v21 =	vmul.f32 v59, v59;
	v22 =	vadd.f32 v9, v8;
	v9 =	vld.idx.msk [tilespmem:v14+s2+$0x0], $0xffff  }
0xc7: {  	v11 =	vxor.u32 s22, v42;
	v24 =	vadd.f32 v5, v4;
	v5 =	vld.idx.msk [tilespmem:v7+s2+$0x0], $0xffff;
	v7 =	vmul.f32 v62, v62  }
0xc8: {  	v8 =	vld.idx.msk [tilespmem:v26+s2+$0x0], $0xffff;
	v11 =	vadd.s32 v37, v11  }
0xc9: {  	v13 =	vadd.f32 v21, v27;
	v14 =	vld.idx.msk [tilespmem:v20+s2+$0x0], $0xffff;
	v7 =	vadd.f32 v6, v7  }
0xca: {  	v4 =	vld.idx.msk [tilespmem:v15+s2+$0x0], $0xffff  }
0xcb: {  	v29 =	vmul.f32 v1, v1;
	v26 =	vxor.u32 s22, v49;
	v7 =	vadd.f32 v7, v13;
	v13 =	vld.idx.msk [tilespmem:v19+s2+$0x0], $0xffff  }
0xcc: {  	v20 =	vmul.f32 v61, v61;
	v16 =	vadd.s32 v50, v26;
	v19 =	vld.idx.msk [tilespmem:v10+s2+$0x0], $0xffff;
	v10 =	vxor.u32 s22, v52  }
0xcd: {  	v21 =	vmul.f32 v8, v8;
	v15 =	vmul.f32 v63, v63;
	v6 =	vld.idx.msk [tilespmem:v11+s2+$0x0], $0xffff;
	v10 =	vadd.s32 v51, v10  }
0xce: {  	v23 =	vmul.f32 v9, v9;
	v25 =	vadd.f32 v22, v24;
	v22 =	vmul.f32 v0, v0  }
0xcf: {  	v11 =	vmul.f32 v2, v2;
	v26 =	vmul.f32 v5, v5;
	v15 =	vadd.f32 v20, v15  }
0xd0: {  	v20 =	vmul.f32 v17, v17;
	v12 =	vadd.f32 v25, v7;
	v25 =	vmul.f32 v14, v14  }
0xd1: {  	v22 =	vadd.f32 v22, v29;
	v24 =	vmul.f32 v4, v4;
	v7 =	vld.idx.msk [tilespmem:v16+s2+$0x0], $0xffff;
	v16 =	vmul.f32 v3, v3  }
0xd2: {  	v27 =	vmul.f32 v6, v6;
	v23 =	vadd.f32 v23, v25;
	v25 =	vmul.f32 v18, v18;
	v10 =	vld.idx.msk [tilespmem:v10+s2+$0x0], $0xffff  }
0xd3: {  	v16 =	vadd.f32 v20, v16;
	v28 =	vmul.f32 v19, v19;
	v30 =	vmul.f32 v13, v13  }
0xd4: {  	v21 =	vadd.f32 v24, v21;
	v11 =	vadd.f32 v27, v11  }
0xd5: {  	v20 =	vadd.f32 v30, v26;
	v25 =	vadd.f32 v25, v28  }
0xd6: {  	v15 =	vadd.f32 v15, v22;
	v24 =	vmul.f32 v7, v7;
	v11 =	vadd.f32 v11, v21  }
0xd7: {  	v20 =	vadd.f32 v20, v23;
	v16 =	vadd.f32 v25, v16;
	v27 =	vmul.f32 v10, v10  }
0xd8: {  	v11 =	vadd.f32 v15, v11  }
0xd9: {  	v16 =	vadd.f32 v20, v16;
	v24 =	vadd.f32 v24, v27;
	_ =	sdelay $0x1  }
0xda: {  	v11 =	vadd.f32 v11, v16;
	v12 =	vadd.f32 v24, v12;
	_ =	sdelay $0x1  }
0xdb: {  	v11 =	vadd.f32 v12, v11;
	_ =	sdelay $0x1  }
0xdc: {  	v12 =	vshra.s32 v11, $0x1;
	v25 =	vmul.f32 $5.000000000e-01, v11  }
0xdd: {  	v12 =	vsub.s32 $0x5F3759DF, v12  }
0xde: {  	v26 =	vmul.f32 v12, v25;
	_ =	sdelay $0x1  }
0xdf: {  	v16 =	vmul.f32 v12, v26;
	_ =	sdelay $0x1  }
0xe0: {  	v16 =	vsub.f32 $1.500000000e+00, v16;
	_ =	sdelay $0x1  }
0xe1: {  	v12 =	vmul.f32 v12, v16;
	_ =	sdelay $0x1  }
0xe2: {  	v15 =	vmul.f32 v12, v25;
	_ =	sdelay $0x1  }
0xe3: {  	v15 =	vmul.f32 v15, v12;
	_ =	sdelay $0x1  }
0xe4: {  	v15 =	vsub.f32 $1.500000000e+00, v15;
	_ =	sdelay $0x1  }
0xe5: {  	v12 =	vmul.f32 v15, v12;
	_ =	sdelay $0x1  }
0xe6: {  	v11 =	vmul.f32 v12, v11;
	_ =	sdelay $0x1  }
0xe7: {  	v11 =	vmax.f32 v11, $9.999999960e-13  }
0xe8: {  	(erf) = vrcp.f32 v11;
	_ =	sdelay $0x8  }
0xe9: {  	v11 =	vpop (erf)  }
0xea: {  	s19 =	sadd.s32 $0x80, s19;
	v3 =	vmul.f32 v11, v3  }
0xeb: {  	s21 =	sand.u32 $0x780, s19;
	v27 =	vmul.f32 v11, v17  }
0xec: {  	v20 =	vmul.f32 v11, v19;
	[tilespmem:v53+s21+$0x4B80 ss:$0x1] =	vst.idx.msk $0xffff, v3  }
0xed: {  	v21 =	vmul.f32 v11, v18;
	[tilespmem:v53+s21+$0x5380 ss:$0x1] =	vst.idx.msk $0xffff, v27  }
0xee: {  	v3 =	vmul.f32 v11, v14;
	[tilespmem:v53+s21+$0x5B80 ss:$0x1] =	vst.idx.msk $0xffff, v20  }
0xef: {  	v9 =	vmul.f32 v11, v9;
	[tilespmem:v53+s21+$0x6380 ss:$0x1] =	vst.idx.msk $0xffff, v21  }
0xf0: {  	v5 =	vmul.f32 v11, v5;
	v22 =	vmul.f32 v11, v13;
	[tilespmem:v53+s21+$0x6B80 ss:$0x1] =	vst.idx.msk $0xffff, v3  }
0xf1: {  	v23 =	vmul.f32 v11, v8;
	v4 =	vmul.f32 v11, v4;
	[tilespmem:v53+s21+$0x7380 ss:$0x1] =	vst.idx.msk $0xffff, v9  }
0xf2: {  	v24 =	vmul.f32 v11, v2;
	v25 =	vmul.f32 v11, v6;
	[tilespmem:v53+s21+$0x7B80 ss:$0x1] =	vst.idx.msk $0xffff, v5  }
0xf3: {  	v26 =	vmul.f32 v11, v1;
	v63 =	vmul.f32 v11, v63;
	[tilespmem:v53+s21+$0x8380 ss:$0x1] =	vst.idx.msk $0xffff, v22  }
0xf4: {  	p0 =	sne.s32 s20, $0xF;
	v8 =	vmul.f32 v11, v61;
	v60 =	vmul.f32 v11, v60;
	[tilespmem:v53+s21+$0x8B80 ss:$0x1] =	vst.idx.msk $0xffff, v23  }
.Ltmp1:
0xf5: {  	v6 =	vmul.f32 v11, v54;
	v2 =	vmul.f32 v11, v55;
	[tilespmem:v53+s21+$0x9380 ss:$0x1] =	vst.idx.msk $0xffff, v4;
	(pc) =	sbr.rel @p0 .LBB2_6-.Ltmp1, $4  }
0xf6: {  	v1 =	vmul.f32 v11, v10;
	v27 =	vmul.f32 v11, v0;
	[tilespmem:v53+s21+$0x9B80 ss:$0x1] =	vst.idx.msk $0xffff, v24  }
0xf7: {  	v0 =	vmul.f32 v11, v7;
	v3 =	vmul.f32 v11, v56;
	[tilespmem:v53+s21+$0xA380 ss:$0x1] =	vst.idx.msk $0xffff, v25  }
0xf8: {  	v9 =	vmul.f32 v11, v59;
	v59 =	vmul.f32 v11, v62;
	[tilespmem:v53+s21+$0xAB80 ss:$0x1] =	vst.idx.msk $0xffff, v26  }
0xf9: {  	s20 =	sadd.s32 $0x1, s20;
	v5 =	vmul.f32 v11, v58;
	v4 =	vmul.f32 v11, v57;
	[tilespmem:v53+s21+$0xB380 ss:$0x1] =	vst.idx.msk $0xffff, v27  }
0xfa: {  	_ =	sdelay $0x3  }
0xfb: {  	[tilespmem:v53+s21+$0xBB80 ss:$0x1] =	vst.idx.msk $0xffff, v63  }
0xfc: {  	[tilespmem:v53+s21+$0xC380 ss:$0x1] =	vst.idx.msk $0xffff, v8  }
0xfd: {  	[tilespmem:v53+s21+$0xCB80 ss:$0x1] =	vst.idx.msk $0xffff, v60  }
0xfe: {  	[tilespmem:v53+s21+$0xD380 ss:$0x1] =	vst.idx.msk $0xffff, v9  }
0xff: {  	[tilespmem:v53+s21+$0xDB80 ss:$0x1] =	vst.idx.msk $0xffff, v59  }
0x100: {  	s18 =	sadd.s32 $0x1, s18;
	[tilespmem:v53+s21+$0xE380 ss:$0x1] =	vst.idx.msk $0xffff, v5  }
0x101: {  	p0 =	sne.s32 s18, $0x8;
	[tilespmem:v53+s21+$0xEB80 ss:$0x1] =	vst.idx.msk $0xffff, v6  }
.Ltmp2:
0x102: {  	[tilespmem:v53+s21+$0xF380 ss:$0x1] =	vst.idx.msk $0xffff, v3;
	(pc) =	sbr.rel @p0 .LBB2_5-.Ltmp2, $4  }
0x103: {  	[tilespmem:v53+s21+$0xFB80 ss:$0x1] =	vst.idx.msk $0xffff, v4  }
0x104: {  	[tilespmem:v53+s21+$0x10380 ss:$0x1] =	vst.idx.msk $0xffff, v2  }
0x105: {  	[tilespmem:v53+s21+$0x10B80 ss:$0x1] =	vst.idx.msk $0xffff, v1  }
0x106: {  	[tilespmem:v53+s21+$0x11380 ss:$0x1] =	vst.idx.msk $0xffff, v0  }
0x107: {  	s16 =	sadd.s32 $0x1, s16  }
0x108: {  	s17 =	sshll.u32 s17, $0x7;
	p0 =	sne.s32 s16, $0x4  }
.Ltmp3:
0x109: {  	s17 =	sadd.s32 s1, s17;
	(pc) =	sbr.rel @p0 .LBB2_4-.Ltmp3, $4  }
0x10a: {  	[hbm4b:s17+s12] =	stream.strided.scatter [tilespmem:s14], [sflag:$0x1], $0xD000, s13, s12, $0x38;
	[tilespmem:$0x11B80] =	vst v63  }
0x10b: {  	_ =	swait.ge [sflag:s8], $0xD000  }
0x10c: {  	[sflag:s8] =	ssyncset.done $0x0  }
0x10d: {  	[sflag:s8] =	ssyncadd.s32 $0xFFFF3000  }
0x10e: {  	s15 =	sadd.s32 $0x1, s15  }
0x10f: {  	p0 =	sne.s32 s15, s7  }
.Ltmp4:
0x110: {  	_ = 	snop;
	(pc) =	sbr.rel @p0 .LBB2_1-.Ltmp4, $2  }
0x111: {  	_ =	sdelay $0x2  }
0x112: {  	v2 =	vlaneseq.u32  }
0x113: {  	_ =	sfence.sel $0x180000  }
0x114: {  	[bflag:$0x0] =	sbarrier.arrive $0xFFFF  }
0x115: {  	p0 =	sne.s32 s3, $0x0;
	_ =	strace $0x90000047  }
0x116: {  	s0 =	sadd.s32 @!p0 $0x100000, s0;
	[bflag:$0x2] =	sbarrier.arrive $0xFFFF  }
0x117: {  	[sflag:s0] =	ssyncadd.tile.s32 @!p0 $0x1;
	_ =	shalt  }
.Lfunc_end2:
_tile_overlayer_lowered:
.L_overlay_start_2:
0x118: {  	(tag) =	ssettag $0x2  }
0x119: {  	s0 =	rddreg [dreg:$0x0];
	s2 =	stileid.u32  }
0x11a: {  	s1 =	rddreg [dreg:$0x1];
	p0 =	sne.s32 s2, $0x0  }
0x11b: {  	s3 =	rddreg [dreg:$0x2];
	[bflag:$0x3] =	sbarrier.arrive $0xFFFF;
	s2 =	simm.s32 @!p0 $0x1C01  }
0x11c: {  	[timem:s3], [sflag:s2] =	dma.local @!p0 [hbm:s0], s1  }
0x11d: {  	s0 =	simm.s32 @!p0 $0x1  }
0x11e: {  	_ =	swait.ge @!p0 [sflag:s0], s1  }
0x11f: {  	s1 =	ssub.s32 @!p0 $0x0, s1;
	[sflag:s0] =	ssyncset.done @!p0 $0x0  }
0x120: {  	[sflag:s0] =	ssyncadd.s32 @!p0 s1  }
0x121: {  	[bflag:$0x3] =	sbarrier.arrive $0xFFFF  }
0x122: {  	_ =	shalt  }

</sc_bundles>
